<compile_context>
chip_gen: v7x
topology: tpu7x:2x2x1
jax: 0.10.2.dev20260603
libtpu: 0.0.44.dev20260713+nightly
codegen_flags: <defaults>
</compile_context>

<pallas_src>
import functools

import jax
import jax.numpy as jnp
from jax.experimental import pallas as pl
from jax.experimental.pallas import tpu as pltpu

_N = 4096
_BLK = 512
_GRID = _N // _BLK


def _msg_body(sf_ref, w_ref, b_ref, out_ref):
    out_ref[...] = (
        jnp.dot(sf_ref[...], w_ref[...].T, preferred_element_type=jnp.float32)
        + b_ref[...]
    )


def _big_body(a_ref, msg_ref, rs_ref, fc1w_ref, fc1b_ref, lng_ref, lnb_ref,
              fc2w_ref, fc2b_ref, out_ref, mf_acc, mb_acc):
    r = pl.program_id(0)
    c = pl.program_id(1)
    a_blk = a_ref[...]

    msg_c = msg_ref[pl.ds(c * _BLK, _BLK), :]
    mf = jnp.dot(a_blk, msg_c, preferred_element_type=jnp.float32)

    rs_r = rs_ref[pl.ds(r * _BLK, _BLK), :]
    msg_r = msg_ref[pl.ds(r * _BLK, _BLK), :] / (rs_r + 1e-6)
    mb = jax.lax.dot_general(a_blk, msg_r, (((0,), (0,)), ((), ())),
                             preferred_element_type=jnp.float32)

    @pl.when(c == 0)
    def _():
        mf_acc[pl.ds(r * _BLK, _BLK), :] = mf

    @pl.when(c != 0)
    def _():
        mf_acc[pl.ds(r * _BLK, _BLK), :] += mf

    @pl.when(r == 0)
    def _():
        mb_acc[pl.ds(c * _BLK, _BLK), :] = mb

    @pl.when(r != 0)
    def _():
        mb_acc[pl.ds(c * _BLK, _BLK), :] += mb

    @pl.when((r == _GRID - 1) & (c == _GRID - 1))
    def _():
        rs_all = rs_ref[...]
        feats = jnp.concatenate(
            [mf_acc[...] / (rs_all + 1e-6), mb_acc[...]], axis=1)
        h = (jnp.dot(feats, fc1w_ref[...].T, preferred_element_type=jnp.float32)
             + fc1b_ref[...])
        mu = jnp.mean(h, axis=-1, keepdims=True)
        var = jnp.mean((h - mu) ** 2, axis=-1, keepdims=True)
        h = (h - mu) * jax.lax.rsqrt(var + 1e-5) * lng_ref[...] + lnb_ref[...]
        h = jnp.maximum(h, 0.0)
        o = (jnp.dot(h, fc2w_ref[...].T, preferred_element_type=jnp.float32)
             + fc2b_ref[...])
        o = jnp.maximum(o, 0.0)
        out_ref[...] = jnp.where(rs_all > 0.0, o, 0.0)


def kernel(source_features, weighting_gate, rel_pair_idx, msg_W, msg_b,
           fc1_W, fc1_b, ln_g, ln_b, fc2_W, fc2_b):
    n = _N
    e = rel_pair_idx.shape[0]
    src = rel_pair_idx[:, 0]
    dst = rel_pair_idx[:, 1]

    prio = jnp.arange(1, e + 1, dtype=jnp.float32)
    tbl = jnp.zeros((n, n), dtype=jnp.float32).at[src, dst].set(prio)
    winner = tbl[src, dst] == prio
    w = jnp.where(winner, jnp.exp(weighting_gate), 0.0)

    a_mat = jnp.zeros((n, n), dtype=jnp.float32).at[src, dst].add(w)
    rs = jnp.zeros((n,), dtype=jnp.float32).at[src].add(w).reshape(n, 1)

    dm = msg_W.shape[0]
    msg = pl.pallas_call(
        _msg_body,
        out_shape=jax.ShapeDtypeStruct((n, dm), jnp.float32),
    )(source_features, msg_W, msg_b.reshape(1, dm))

    out = pl.pallas_call(
        _big_body,
        grid=(_GRID, _GRID),
        in_specs=[
            pl.BlockSpec((_BLK, _BLK), lambda r, c: (r, c)),
            pl.BlockSpec((n, dm), lambda r, c: (0, 0)),
            pl.BlockSpec((n, 1), lambda r, c: (0, 0)),
            pl.BlockSpec(fc1_W.shape, lambda r, c: (0, 0)),
            pl.BlockSpec((1, fc1_b.shape[0]), lambda r, c: (0, 0)),
            pl.BlockSpec((1, ln_g.shape[0]), lambda r, c: (0, 0)),
            pl.BlockSpec((1, ln_b.shape[0]), lambda r, c: (0, 0)),
            pl.BlockSpec(fc2_W.shape, lambda r, c: (0, 0)),
            pl.BlockSpec((1, fc2_b.shape[0]), lambda r, c: (0, 0)),
        ],
        out_specs=pl.BlockSpec((n, fc2_W.shape[0]), lambda r, c: (0, 0)),
        out_shape=jax.ShapeDtypeStruct((n, fc2_W.shape[0]), jnp.float32),
        scratch_shapes=[
            pltpu.VMEM((n, dm), jnp.float32),
            pltpu.VMEM((n, dm), jnp.float32),
        ],
        compiler_params=pltpu.CompilerParams(
            dimension_semantics=("arbitrary", "arbitrary")),
    )(a_mat, msg, rs, fc1_W, fc1_b.reshape(1, -1), ln_g.reshape(1, -1),
      ln_b.reshape(1, -1), fc2_W, fc2_b.reshape(1, -1))
    return out

# --- scband reference (transcript-rebuilt; emitter-appended) ---
"""Pipeline reference for scband-message-generator-74758200754699 (READ-ONLY COPY).

The authoritative reference and input builder live on the scoring server;
editing this copy changes nothing except your own understanding.
"""

import jax, jax.numpy as jnp
import numpy as np

N, E, D, H = 4096, 131072, 128, 128

def setup_inputs(seed: int = 0) -> dict:
    key = jax.random.key(seed)
    ks = jax.random.split(key, 12)
    inp = {}
    inp['source_features'] = jax.random.normal(ks[0], (N, D), dtype=jnp.float32)
    inp['weighting_gate'] = jax.random.normal(ks[1], (E,), dtype=jnp.float32)
    inp['rel_pair_idx'] = jax.random.randint(ks[2], (E, 2), 0, N, dtype=jnp.int32)
    # message_fc: Linear(D, D//2)
    inp['msg_W'] = jax.random.normal(ks[3], (D // 2, D), dtype=jnp.float32) * 0.02
    inp['msg_b'] = jnp.zeros((D // 2,), dtype=jnp.float32)
    # output_fc: Linear(D, D//4) -> LayerNorm(D//4) -> ReLU -> Linear(D//4, H) -> ReLU
    inp['fc1_W'] = jax.random.normal(ks[4], (D // 4, D), dtype=jnp.float32) * 0.02
    inp['fc1_b'] = jnp.zeros((D // 4,), dtype=jnp.float32)
    inp['ln_g'] = jnp.ones((D // 4,), dtype=jnp.float32)
    inp['ln_b'] = jnp.zeros((D // 4,), dtype=jnp.float32)
    inp['fc2_W'] = jax.random.normal(ks[5], (H, D // 4), dtype=jnp.float32) * 0.02
    inp['fc2_b'] = jnp.zeros((H,), dtype=jnp.float32)
    return inp

def reference(source_features, weighting_gate, rel_pair_idx, msg_W, msg_b, fc1_W, fc1_b, ln_g, ln_b, fc2_W, fc2_b):
    n_nodes = source_features.shape[0]
    src = rel_pair_idx[:, 0]
    dst = rel_pair_idx[:, 1]
    # masked_softmax: scatter edge gates into dense N x N, masked exp, row-normalize
    atten_mask = jnp.zeros((n_nodes, n_nodes), dtype=source_features.dtype).at[src, dst].set(1.0)
    atten_ex = jnp.zeros((n_nodes, n_nodes), dtype=source_features.dtype).at[src, dst].set(weighting_gate)
    atten_ex = jnp.exp(atten_ex - atten_ex.max()) * atten_mask
    row_sum = atten_ex.sum(axis=1, keepdims=True)
    atten_mat = atten_ex / (row_sum + 1e-06)
    # message_fc
    msg = source_features @ msg_W.T + msg_b
    # multichnl_matmul with bidirectional stack (atten, atten^T) -> concat channels
    m_fwd = atten_mat @ msg
    m_bwd = atten_mat.T @ msg
    message_feats = jnp.concatenate([m_fwd, m_bwd], axis=-1)
    # output_fc (per-row ops, so computing all rows then masking invalid rows to zero
    # is exactly equivalent to index_select + scatter-add into a zero buffer)
    h = message_feats @ fc1_W.T + fc1_b
    mu = h.mean(axis=-1, keepdims=True)
    var = ((h - mu) ** 2).mean(axis=-1, keepdims=True)
    h = (h - mu) / jnp.sqrt(var + 1e-05) * ln_g + ln_b
    h = jax.nn.relu(h)
    out = jax.nn.relu(h @ fc2_W.T + fc2_b)
    valid = atten_mat.sum(axis=1) != 0
    padded_msg_feat = jnp.where(valid[:, None], out, jnp.zeros_like(out))
    return padded_msg_feat

if __name__ == "__main__":
    import jax
    _d = setup_inputs()
    print(jax.jit(kernel)(*tuple(_d.values())))

</pallas_src>

<mosaic_0001>
module attributes {stable_mosaic.version = 14 : i64} {
  func.func @_msg_body(%arg0: memref<4096x128xf32, #tpu.memory_space<vmem>>, %arg1: memref<64x128xf32, #tpu.memory_space<vmem>>, %arg2: memref<1x64xf32, #tpu.memory_space<vmem>>, %arg3: memref<4096x64xf32, #tpu.memory_space<vmem>>) attributes {dimension_semantics = [], scalar_prefetch = 0 : i64, scratch_operands = 0 : i64, tpu.core_type = #tpu.core_type<tc>} {
    %get3A = arith.constant 0 : index
    %get3A_0 = arith.constant 0 : index
    %get3A_1 = vector.load %arg0[%get3A, %get3A_0] : memref<4096x128xf32, #tpu.memory_space<vmem>>, vector<4096x128xf32>
    %get3A_2 = arith.constant 0 : index
    %get3A_3 = arith.constant 0 : index
    %get3A_4 = vector.load %arg1[%get3A_2, %get3A_3] : memref<64x128xf32, #tpu.memory_space<vmem>>, vector<64x128xf32>
    %transpose3A = tpu.transpose %get3A_4, [1, 0] : vector<64x128xf32> -> vector<128x64xf32>
    %dot_general3A = arith.constant dense<0.000000e+00> : vector<4096x64xf32>
    %dot_general3A_5 = tpu.matmul %get3A_1, %transpose3A, %dot_general3A {dimension_numbers = #tpu.dot_dimension_numbers<[1], [0], [0], [1], [0, 0, 1, 1], [], []>, transpose_lhs_hint = false} : vector<4096x128xf32>, vector<128x64xf32>, vector<4096x64xf32> -> vector<4096x64xf32>
    %get3A_6 = arith.constant 0 : index
    %get3A_7 = arith.constant 0 : index
    %get3A_8 = vector.load %arg2[%get3A_6, %get3A_7] : memref<1x64xf32, #tpu.memory_space<vmem>>, vector<1x64xf32>
    %add3A = vector.broadcast %get3A_8 : vector<1x64xf32> to vector<4096x64xf32>
    %add3A_9 = arith.addf %dot_general3A_5, %add3A : vector<4096x64xf32>
    %swap3A = arith.constant 0 : index
    %swap3A_10 = arith.constant 0 : index
    %swap3A_11 = vector.load %arg3[%swap3A, %swap3A_10] : memref<4096x64xf32, #tpu.memory_space<vmem>>, vector<4096x64xf32>
    tpu.vector_store %arg3[%swap3A, %swap3A_10], %add3A_9 {strides = array<i32>} : memref<4096x64xf32, #tpu.memory_space<vmem>>, vector<4096x64xf32>,
    return
  }
}

module attributes {stable_mosaic.version = 14 : i64} {
  func.func @_big_body(%arg0: i32, %arg1: i32, %arg2: memref<512x512xf32, #tpu.memory_space<vmem>>, %arg3: memref<4096x64xf32, #tpu.memory_space<vmem>>, %arg4: memref<4096x1xf32, #tpu.memory_space<vmem>>, %arg5: memref<32x128xf32, #tpu.memory_space<vmem>>, %arg6: memref<1x32xf32, #tpu.memory_space<vmem>>, %arg7: memref<1x32xf32, #tpu.memory_space<vmem>>, %arg8: memref<1x32xf32, #tpu.memory_space<vmem>>, %arg9: memref<128x32xf32, #tpu.memory_space<vmem>>, %arg10: memref<1x128xf32, #tpu.memory_space<vmem>>, %arg11: memref<4096x128xf32, #tpu.memory_space<vmem>>, %arg12: memref<4096x64xf32, #tpu.memory_space<vmem>>, %arg13: memref<4096x64xf32, #tpu.memory_space<vmem>>) attributes {dimension_semantics = [#tpu.dimension_semantics<arbitrary>, #tpu.dimension_semantics<arbitrary>], iteration_bounds = array<i64: 8, 8>, scalar_prefetch = 0 : i64, scratch_operands = 2 : i64, tpu.core_type = #tpu.core_type<tc>, window_params = [{transform_indices = @transform_0, window_bounds = array<i64: 512, 512>}, {pipeline_mode = #tpu.pipeline_mode<synchronous>, transform_indices = @transform_1, window_bounds = array<i64: 4096, 64>}, {pipeline_mode = #tpu.pipeline_mode<synchronous>, transform_indices = @transform_2, window_bounds = array<i64: 4096, 1>}, {pipeline_mode = #tpu.pipeline_mode<synchronous>, transform_indices = @transform_3, window_bounds = array<i64: 32, 128>}, {pipeline_mode = #tpu.pipeline_mode<synchronous>, transform_indices = @transform_4, window_bounds = array<i64: 1, 32>}, {pipeline_mode = #tpu.pipeline_mode<synchronous>, transform_indices = @transform_5, window_bounds = array<i64: 1, 32>}, {pipeline_mode = #tpu.pipeline_mode<synchronous>, transform_indices = @transform_6, window_bounds = array<i64: 1, 32>}, {pipeline_mode = #tpu.pipeline_mode<synchronous>, transform_indices = @transform_7, window_bounds = array<i64: 128, 32>}, {pipeline_mode = #tpu.pipeline_mode<synchronous>, transform_indices = @transform_8, window_bounds = array<i64: 1, 128>}, {pipeline_mode = #tpu.pipeline_mode<synchronous>, transform_indices = @transform_9, window_bounds = array<i64: 4096, 128>}]} {
    %get3A = arith.constant 0 : index
    %get3A_0 = arith.constant 0 : index
    %get3A_1 = vector.load %arg2[%get3A, %get3A_0] : memref<512x512xf32, #tpu.memory_space<vmem>>, vector<512x512xf32>
    %mul3A = arith.constant 512 : i32
    %mul3A_2 = arith.muli %arg1, %mul3A : i32
    %get3A_3 = arith.index_cast %mul3A_2 : i32 to index
    %get3A_4 = arith.constant 0 : index
    %get3A_5 = vector.load %arg3[%get3A_3, %get3A_4] : memref<4096x64xf32, #tpu.memory_space<vmem>>, vector<512x64xf32>
    %dot_general3A = arith.constant dense<0.000000e+00> : vector<512x64xf32>
    %dot_general3A_6 = tpu.matmul %get3A_1, %get3A_5, %dot_general3A {dimension_numbers = #tpu.dot_dimension_numbers<[1], [0], [0], [1], [0, 0, 1, 1], [], []>, transpose_lhs_hint = false} : vector<512x512xf32>, vector<512x64xf32>, vector<512x64xf32> -> vector<512x64xf32>
    %mul3A_7 = arith.constant 512 : i32
    %mul3A_8 = arith.muli %arg0, %mul3A_7 : i32
    %get3A_9 = arith.index_cast %mul3A_8 : i32 to index
    %get3A_10 = arith.constant 0 : index
    %get3A_11 = vector.load %arg4[%get3A_9, %get3A_10] : memref<4096x1xf32, #tpu.memory_space<vmem>>, vector<512x1xf32>
    %mul3A_12 = arith.constant 512 : i32
    %mul3A_13 = arith.muli %arg0, %mul3A_12 : i32
    %get3A_14 = arith.index_cast %mul3A_13 : i32 to index
    %get3A_15 = arith.constant 0 : index
    %get3A_16 = vector.load %arg3[%get3A_14, %get3A_15] : memref<4096x64xf32, #tpu.memory_space<vmem>>, vector<512x64xf32>
    %add3A = arith.constant 9.99999997E-7 : f32
    %add3A_17 = vector.broadcast %add3A : f32 to vector<512x1xf32>
    %add3A_18 = arith.addf %get3A_11, %add3A_17 : vector<512x1xf32>
    %div3A = vector.broadcast %add3A_18 : vector<512x1xf32> to vector<512x64xf32>
    %div3A_19 = arith.divf %get3A_16, %div3A : vector<512x64xf32>
    %dot_general3A_20 = arith.constant dense<0.000000e+00> : vector<512x64xf32>
    %dot_general3A_21 = tpu.matmul %get3A_1, %div3A_19, %dot_general3A_20 {dimension_numbers = #tpu.dot_dimension_numbers<[0], [0], [1], [1], [0, 1, 1, 1], [], []>, transpose_lhs_hint = false} : vector<512x512xf32>, vector<512x64xf32>, vector<512x64xf32> -> vector<512x64xf32>
    %eq3A = arith.constant 0 : i32
    %eq3A_22 = arith.cmpi eq, %arg1, %eq3A : i32
    %convert_element_type3A = arith.extui %eq3A_22 : i1 to i32
    %cond3A = arith.constant 0 : i32
    %cond3A_23 = arith.cmpi ne, %convert_element_type3A, %cond3A : i32
    scf.if %cond3A_23 {
      %mul3A_45 = arith.constant 512 : i32
      %mul3A_46 = arith.muli %arg0, %mul3A_45 : i32
      %swap3A = arith.index_cast %mul3A_46 : i32 to index
      %swap3A_47 = arith.constant 0 : index
      %swap3A_48 = vector.load %arg12[%swap3A, %swap3A_47] : memref<4096x64xf32, #tpu.memory_space<vmem>>, vector<512x64xf32>
      tpu.vector_store %arg12[%swap3A, %swap3A_47], %dot_general3A_6 {strides = array<i32>} : memref<4096x64xf32, #tpu.memory_space<vmem>>, vector<512x64xf32>,
    } else {
    }
    %ne3A = arith.constant 0 : i32
    %ne3A_24 = arith.cmpi ne, %arg1, %ne3A : i32
    %convert_element_type3A_25 = arith.extui %ne3A_24 : i1 to i32
    %cond3A_26 = arith.constant 0 : i32
    %cond3A_27 = arith.cmpi ne, %convert_element_type3A_25, %cond3A_26 : i32
    scf.if %cond3A_27 {
      %mul3A_45 = arith.constant 512 : i32
      %mul3A_46 = arith.muli %arg0, %mul3A_45 : i32
      %get3A_47 = arith.index_cast %mul3A_46 : i32 to index
      %get3A_48 = arith.constant 0 : index
      %get3A_49 = vector.load %arg12[%get3A_47, %get3A_48] : memref<4096x64xf32, #tpu.memory_space<vmem>>, vector<512x64xf32>
      %add3A_50 = arith.addf %get3A_49, %dot_general3A_6 : vector<512x64xf32>
      %swap3A = arith.index_cast %mul3A_46 : i32 to index
      %swap3A_51 = arith.constant 0 : index
      %swap3A_52 = vector.load %arg12[%swap3A, %swap3A_51] : memref<4096x64xf32, #tpu.memory_space<vmem>>, vector<512x64xf32>
      tpu.vector_store %arg12[%swap3A, %swap3A_51], %add3A_50 {strides = array<i32>} : memref<4096x64xf32, #tpu.memory_space<vmem>>, vector<512x64xf32>,
    } else {
    }
    %eq3A_28 = arith.constant 0 : i32
    %eq3A_29 = arith.cmpi eq, %arg0, %eq3A_28 : i32
    %convert_element_type3A_30 = arith.extui %eq3A_29 : i1 to i32
    %cond3A_31 = arith.constant 0 : i32
    %cond3A_32 = arith.cmpi ne, %convert_element_type3A_30, %cond3A_31 : i32
    scf.if %cond3A_32 {
      %mul3A_45 = arith.constant 512 : i32
      %mul3A_46 = arith.muli %arg1, %mul3A_45 : i32
      %swap3A = arith.index_cast %mul3A_46 : i32 to index
      %swap3A_47 = arith.constant 0 : index
      %swap3A_48 = vector.load %arg13[%swap3A, %swap3A_47] : memref<4096x64xf32, #tpu.memory_space<vmem>>, vector<512x64xf32>
      tpu.vector_store %arg13[%swap3A, %swap3A_47], %dot_general3A_21 {strides = array<i32>} : memref<4096x64xf32, #tpu.memory_space<vmem>>, vector<512x64xf32>,
    } else {
    }
    %ne3A_33 = arith.constant 0 : i32
    %ne3A_34 = arith.cmpi ne, %arg0, %ne3A_33 : i32
    %convert_element_type3A_35 = arith.extui %ne3A_34 : i1 to i32
    %cond3A_36 = arith.constant 0 : i32
    %cond3A_37 = arith.cmpi ne, %convert_element_type3A_35, %cond3A_36 : i32
    scf.if %cond3A_37 {
      %mul3A_45 = arith.constant 512 : i32
      %mul3A_46 = arith.muli %arg1, %mul3A_45 : i32
      %get3A_47 = arith.index_cast %mul3A_46 : i32 to index
      %get3A_48 = arith.constant 0 : index
      %get3A_49 = vector.load %arg13[%get3A_47, %get3A_48] : memref<4096x64xf32, #tpu.memory_space<vmem>>, vector<512x64xf32>
      %add3A_50 = arith.addf %get3A_49, %dot_general3A_21 : vector<512x64xf32>
      %swap3A = arith.index_cast %mul3A_46 : i32 to index
      %swap3A_51 = arith.constant 0 : index
      %swap3A_52 = vector.load %arg13[%swap3A, %swap3A_51] : memref<4096x64xf32, #tpu.memory_space<vmem>>, vector<512x64xf32>
      tpu.vector_store %arg13[%swap3A, %swap3A_51], %add3A_50 {strides = array<i32>} : memref<4096x64xf32, #tpu.memory_space<vmem>>, vector<512x64xf32>,
    } else {
    }
    %eq3A_38 = arith.constant 7 : i32
    %eq3A_39 = arith.cmpi eq, %arg0, %eq3A_38 : i32
    %eq3A_40 = arith.constant 7 : i32
    %eq3A_41 = arith.cmpi eq, %arg1, %eq3A_40 : i32
    %and3A = arith.andi %eq3A_39, %eq3A_41 : i1
    %convert_element_type3A_42 = arith.extui %and3A : i1 to i32
    %cond3A_43 = arith.constant 0 : i32
    %cond3A_44 = arith.cmpi ne, %convert_element_type3A_42, %cond3A_43 : i32
    scf.if %cond3A_44 {
      %get3A_45 = arith.constant 0 : index
      %get3A_46 = arith.constant 0 : index
      %get3A_47 = vector.load %arg4[%get3A_45, %get3A_46] : memref<4096x1xf32, #tpu.memory_space<vmem>>, vector<4096x1xf32>
      %get3A_48 = arith.constant 0 : index
      %get3A_49 = arith.constant 0 : index
      %get3A_50 = vector.load %arg12[%get3A_48, %get3A_49] : memref<4096x64xf32, #tpu.memory_space<vmem>>, vector<4096x64xf32>
      %add3A_51 = arith.constant 9.99999997E-7 : f32
      %add3A_52 = vector.broadcast %add3A_51 : f32 to vector<4096x1xf32>
      %add3A_53 = arith.addf %get3A_47, %add3A_52 : vector<4096x1xf32>
      %div3A_54 = vector.broadcast %add3A_53 : vector<4096x1xf32> to vector<4096x64xf32>
      %div3A_55 = arith.divf %get3A_50, %div3A_54 : vector<4096x64xf32>
      %get3A_56 = arith.constant 0 : index
      %get3A_57 = arith.constant 0 : index
      %get3A_58 = vector.load %arg13[%get3A_56, %get3A_57] : memref<4096x64xf32, #tpu.memory_space<vmem>>, vector<4096x64xf32>
      %concatenate3A = tpu.concatenate %div3A_55, %get3A_58 in 1 : vector<4096x64xf32>, vector<4096x64xf32> -> vector<4096x128xf32>
      %get3A_59 = arith.constant 0 : index
      %get3A_60 = arith.constant 0 : index
      %get3A_61 = vector.load %arg5[%get3A_59, %get3A_60] : memref<32x128xf32, #tpu.memory_space<vmem>>, vector<32x128xf32>
      %transpose3A = tpu.transpose %get3A_61, [1, 0] : vector<32x128xf32> -> vector<128x32xf32>
      %dot_general3A_62 = arith.constant dense<0.000000e+00> : vector<4096x32xf32>
      %dot_general3A_63 = tpu.matmul %concatenate3A, %transpose3A, %dot_general3A_62 {dimension_numbers = #tpu.dot_dimension_numbers<[1], [0], [0], [1], [0, 0, 1, 1], [], []>, transpose_lhs_hint = false} : vector<4096x128xf32>, vector<128x32xf32>, vector<4096x32xf32> -> vector<4096x32xf32>
      %get3A_64 = arith.constant 0 : index
      %get3A_65 = arith.constant 0 : index
      %get3A_66 = vector.load %arg6[%get3A_64, %get3A_65] : memref<1x32xf32, #tpu.memory_space<vmem>>, vector<1x32xf32>
      %add3A_67 = vector.broadcast %get3A_66 : vector<1x32xf32> to vector<4096x32xf32>
      %add3A_68 = arith.addf %dot_general3A_63, %add3A_67 : vector<4096x32xf32>
      %reduce_sum3A = arith.constant dense<0.000000e+00> : vector<4096xf32>
      %reduce_sum3A_69 = vector.multi_reduction <add>, %add3A_68, %reduce_sum3A [1] : vector<4096x32xf32> to vector<4096xf32>
      %broadcast_in_dim3A = vector.shape_cast %reduce_sum3A_69 : vector<4096xf32> to vector<4096x1xf32>
      %div3A_70 = arith.constant 3.200000e+01 : f32
      %div3A_71 = vector.broadcast %div3A_70 : f32 to vector<4096x1xf32>
      %div3A_72 = arith.divf %broadcast_in_dim3A, %div3A_71 : vector<4096x1xf32>
      %sub3A = vector.broadcast %div3A_72 : vector<4096x1xf32> to vector<4096x32xf32>
      %sub3A_73 = arith.subf %add3A_68, %sub3A : vector<4096x32xf32>
      %integer_pow3A = arith.mulf %sub3A_73, %sub3A_73 : vector<4096x32xf32>
      %reduce_sum3A_74 = arith.constant dense<0.000000e+00> : vector<4096xf32>
      %reduce_sum3A_75 = vector.multi_reduction <add>, %integer_pow3A, %reduce_sum3A_74 [1] : vector<4096x32xf32> to vector<4096xf32>
      %broadcast_in_dim3A_76 = vector.shape_cast %reduce_sum3A_75 : vector<4096xf32> to vector<4096x1xf32>
      %div3A_77 = arith.constant 3.200000e+01 : f32
      %div3A_78 = vector.broadcast %div3A_77 : f32 to vector<4096x1xf32>
      %div3A_79 = arith.divf %broadcast_in_dim3A_76, %div3A_78 : vector<4096x1xf32>
      %sub3A_80 = vector.broadcast %div3A_72 : vector<4096x1xf32> to vector<4096x32xf32>
      %sub3A_81 = arith.subf %add3A_68, %sub3A_80 : vector<4096x32xf32>
      %add3A_82 = arith.constant 9.99999974E-6 : f32
      %add3A_83 = vector.broadcast %add3A_82 : f32 to vector<4096x1xf32>
      %add3A_84 = arith.addf %div3A_79, %add3A_83 : vector<4096x1xf32>
      %rsqrt3A = math.rsqrt %add3A_84 : vector<4096x1xf32>
      %mul3A_85 = vector.broadcast %rsqrt3A : vector<4096x1xf32> to vector<4096x32xf32>
      %mul3A_86 = arith.mulf %sub3A_81, %mul3A_85 : vector<4096x32xf32>
      %get3A_87 = arith.constant 0 : index
      %get3A_88 = arith.constant 0 : index
      %get3A_89 = vector.load %arg7[%get3A_87, %get3A_88] : memref<1x32xf32, #tpu.memory_space<vmem>>, vector<1x32xf32>
      %mul3A_90 = vector.broadcast %get3A_89 : vector<1x32xf32> to vector<4096x32xf32>
      %mul3A_91 = arith.mulf %mul3A_86, %mul3A_90 : vector<4096x32xf32>
      %get3A_92 = arith.constant 0 : index
      %get3A_93 = arith.constant 0 : index
      %get3A_94 = vector.load %arg8[%get3A_92, %get3A_93] : memref<1x32xf32, #tpu.memory_space<vmem>>, vector<1x32xf32>
      %add3A_95 = vector.broadcast %get3A_94 : vector<1x32xf32> to vector<4096x32xf32>
      %add3A_96 = arith.addf %mul3A_91, %add3A_95 : vector<4096x32xf32>
      %max3A = arith.constant 0.000000e+00 : f32
      %max3A_97 = vector.broadcast %max3A : f32 to vector<4096x32xf32>
      %max3A_98 = arith.maximumf %add3A_96, %max3A_97 : vector<4096x32xf32>
      %get3A_99 = arith.constant 0 : index
      %get3A_100 = arith.constant 0 : index
      %get3A_101 = vector.load %arg9[%get3A_99, %get3A_100] : memref<128x32xf32, #tpu.memory_space<vmem>>, vector<128x32xf32>
      %transpose3A_102 = tpu.transpose %get3A_101, [1, 0] : vector<128x32xf32> -> vector<32x128xf32>
      %dot_general3A_103 = arith.constant dense<0.000000e+00> : vector<4096x128xf32>
      %dot_general3A_104 = tpu.matmul %max3A_98, %transpose3A_102, %dot_general3A_103 {dimension_numbers = #tpu.dot_dimension_numbers<[1], [0], [0], [1], [0, 0, 1, 1], [], []>, transpose_lhs_hint = false} : vector<4096x32xf32>, vector<32x128xf32>, vector<4096x128xf32> -> vector<4096x128xf32>
      %get3A_105 = arith.constant 0 : index
      %get3A_106 = arith.constant 0 : index
      %get3A_107 = vector.load %arg10[%get3A_105, %get3A_106] : memref<1x128xf32, #tpu.memory_space<vmem>>, vector<1x128xf32>
      %add3A_108 = vector.broadcast %get3A_107 : vector<1x128xf32> to vector<4096x128xf32>
      %add3A_109 = arith.addf %dot_general3A_104, %add3A_108 : vector<4096x128xf32>
      %max3A_110 = arith.constant 0.000000e+00 : f32
      %max3A_111 = vector.broadcast %max3A_110 : f32 to vector<4096x128xf32>
      %max3A_112 = arith.maximumf %add3A_109, %max3A_111 : vector<4096x128xf32>
      %gt3A = arith.constant 0.000000e+00 : f32
      %gt3A_113 = vector.broadcast %gt3A : f32 to vector<4096x1xf32>
      %gt3A_114 = arith.cmpf ogt, %get3A_47, %gt3A_113 : vector<4096x1xf32>
      %jit3A = arith.constant 0.000000e+00 : f32
      %broadcast_in_dim3A_115 = vector.shape_cast %gt3A_114 : vector<4096x1xi1> to vector<4096x1xi1>
      %broadcast_in_dim3A_116 = vector.broadcast %broadcast_in_dim3A_115 : vector<4096x1xi1> to vector<4096x128xi1>
      %broadcast_in_dim3A_117 = vector.broadcast %jit3A : f32 to vector<4096x128xf32>
      %select_n3A = arith.select %broadcast_in_dim3A_116, %max3A_112, %broadcast_in_dim3A_117 : vector<4096x128xi1>, vector<4096x128xf32>
      %swap3A = arith.constant 0 : index
      %swap3A_118 = arith.constant 0 : index
      %swap3A_119 = vector.load %arg11[%swap3A, %swap3A_118] : memref<4096x128xf32, #tpu.memory_space<vmem>>, vector<4096x128xf32>
      tpu.vector_store %arg11[%swap3A, %swap3A_118], %select_n3A {strides = array<i32>} : memref<4096x128xf32, #tpu.memory_space<vmem>>, vector<4096x128xf32>,
    } else {
    }
    return
  }
  func.func @transform_0(%arg0: i32, %arg1: i32) -> (i32, i32) {
    %c0_i32 = arith.constant 0 : i32
    return %arg0, %arg1 : i32, i32
  }
  func.func @transform_1(%arg0: i32, %arg1: i32) -> (i32, i32) {
    %c0_i32 = arith.constant 0 : i32
    %c0_i32_0 = arith.constant 0 : i32
    %c0_i32_1 = arith.constant 0 : i32
    return %c0_i32, %c0_i32_0 : i32, i32
  }
  func.func @transform_2(%arg0: i32, %arg1: i32) -> (i32, i32) {
    %c0_i32 = arith.constant 0 : i32
    %c0_i32_0 = arith.constant 0 : i32
    %c0_i32_1 = arith.constant 0 : i32
    return %c0_i32, %c0_i32_0 : i32, i32
  }
  func.func @transform_3(%arg0: i32, %arg1: i32) -> (i32, i32) {
    %c0_i32 = arith.constant 0 : i32
    %c0_i32_0 = arith.constant 0 : i32
    %c0_i32_1 = arith.constant 0 : i32
    return %c0_i32, %c0_i32_0 : i32, i32
  }
  func.func @transform_4(%arg0: i32, %arg1: i32) -> (i32, i32) {
    %c0_i32 = arith.constant 0 : i32
    %c0_i32_0 = arith.constant 0 : i32
    %c0_i32_1 = arith.constant 0 : i32
    return %c0_i32, %c0_i32_0 : i32, i32
  }
  func.func @transform_5(%arg0: i32, %arg1: i32) -> (i32, i32) {
    %c0_i32 = arith.constant 0 : i32
    %c0_i32_0 = arith.constant 0 : i32
    %c0_i32_1 = arith.constant 0 : i32
    return %c0_i32, %c0_i32_0 : i32, i32
  }
  func.func @transform_6(%arg0: i32, %arg1: i32) -> (i32, i32) {
    %c0_i32 = arith.constant 0 : i32
    %c0_i32_0 = arith.constant 0 : i32
    %c0_i32_1 = arith.constant 0 : i32
    return %c0_i32, %c0_i32_0 : i32, i32
  }
  func.func @transform_7(%arg0: i32, %arg1: i32) -> (i32, i32) {
    %c0_i32 = arith.constant 0 : i32
    %c0_i32_0 = arith.constant 0 : i32
    %c0_i32_1 = arith.constant 0 : i32
    return %c0_i32, %c0_i32_0 : i32, i32
  }
  func.func @transform_8(%arg0: i32, %arg1: i32) -> (i32, i32) {
    %c0_i32 = arith.constant 0 : i32
    %c0_i32_0 = arith.constant 0 : i32
    %c0_i32_1 = arith.constant 0 : i32
    return %c0_i32, %c0_i32_0 : i32, i32
  }
  func.func @transform_9(%arg0: i32, %arg1: i32) -> (i32, i32) {
    %c0_i32 = arith.constant 0 : i32
    %c0_i32_0 = arith.constant 0 : i32
    %c0_i32_1 = arith.constant 0 : i32
    return %c0_i32, %c0_i32_0 : i32, i32
  }
}

</mosaic_0001>

<sc_bundles>
// kernel: gather_offload_async_start
scs
__scs_entry_jumppad:
0x0: {  	(pc) =	sbr.rel $0x88, $3  }
0x1: {  	(tag) =	ssettag $0x0;
	lr =	simm.s32 $0x1  }
0x2: {  	[smem:$0x3F96] =	sst lr;
	_ =	strace $0xD0000000  }
0x3: {  	_ = 	snop  }
0x4: {  	_ = 	snop  }
0x5: {  	_ = 	snop  }
0x6: {  	_ = 	snop  }
0x7: {  	_ = 	snop  }
__scs_overlays_trampoline_lowered:
0x8: {  	[smem:$0x3FA5] =	sst s0  }
0x9: {  	[smem:$0x3FA6] =	sst s1  }
0xa: {  	[smem:$0x3FA7] =	sst s2  }
0xb: {  	[smem:$0x3FA8] =	sst s3  }
0xc: {  	[smem:$0x3FA9] =	sst s4  }
0xd: {  	[smem:$0x3FAA] =	sst s5  }
0xe: {  	[smem:$0x3FAB] =	sst s6  }
0xf: {  	[smem:$0x3FAC] =	sst s7  }
0x10: {  	[smem:$0x3FAD] =	sst s8  }
0x11: {  	[smem:$0x3FAE] =	sst s9;
	s0 =	simm.s32 @!p0 $0x0  }
0x12: {  	s1 =	sld [smem:$0x3F94];
	s0 =	simm.s32 @p0 $0x1  }
0x13: {  	[smem:$0x3FAF] =	sst s0;
	s0 =	simm.s32 @!p1 $0x0  }
0x14: {  	s2 =	sld [smem:$0x3F93];
	s0 =	simm.s32 @p1 $0x1  }
0x15: {  	[smem:$0x3FB0] =	sst s0;
	s0 =	simm.s32 @!p2 $0x0  }
0x16: {  	s3 =	sld [smem:$0x3FDB];
	s0 =	simm.s32 @p2 $0x1  }
0x17: {  	s4 =	simm.s32 $0x1BF5;
	[smem:$0x3FB2] =	sst s0  }
0x18: {  	s0 =	sld [smem:$0x3F95];
	_ =	swait.ge [sflag:s4], $0x0  }
0x19: {  	s7 =	sld [smem:$0x3F96]  }
0x1a: {  	s8 =	sadd.s32 $0xFFFFE003, lr  }
0x1b: {  	s9 =	sadd.s32 $0xFFFFFEF7, lr;
	s5 =	simm.s32 $0xFFFFFFFF;
	p2 =	slt.u32 s8, $0xFFFFF086  }
0x1c: {  	p1 =	slt.u32 s9, $0xF7A;
	s5 =	simm.s32 @!p2 $0x0  }
0x1d: {  	s5 =	simm.s32 @p1 $0x1;
	p0 =	seq.s32 s7, s2  }
0x1e: {  	s7 =	smul.u32 @!p0 $0xF7A, s2;
	p2 =	seq.s32 @!p0 s5, $0x0  }
0x1f: {  	s9 =	smul.u32 $0xF7A, s1;
	s8 =	simm.s32 @!p0 $0x1BF5;
	p2 =	por !p2, p0  }
0x20: {  	[sflag:s8] =	ssyncset.s32 @!p0 $0xFFFFF086;
	s6 =	sadd.s32 @!p0 s3, s7;
	s7 =	simm.s32 @!p0 $0x108  }
0x21: {  	s3 =	sadd.s32 s3, s9;
	s6 =	sadd.s32 @!p0 $0x88, s6;
	s7 =	simm.s32 @p2 $0x1082  }
0x22: {  	[simem:s7], [sflag:s8] =	dma.local @!p0 [hbm:s6], $0xF7A  }
0x23: {  	s9 =	sor.u32 $0xD0000000, s2;
	s6 =	simm.s32 $0x108;
	_ =	swait.ge @!p0 [sflag:s8], $0x0  }
0x24: {  	s3 =	sadd.s32 $0x88, s3;
	s6 =	simm.s32 @!p1 $0x1082;
	[sflag:s4] =	ssyncset.s32 $0xFFFFF086  }
0x25: {  	[simem:s6], [sflag:s4] =	dma.local [hbm:s3], $0xF7A  }
0x26: {  	[smem:$0x3F96] =	sst s1;
	(tag) =	ssettag s2;
	_ =	strace s9  }
0x27: {  	s1 =	sld [smem:$0x3FA6]  }
0x28: {  	s2 =	sld [smem:$0x3FA7]  }
0x29: {  	s4 =	sld [smem:$0x3FA9]  }
0x2a: {  	p0 =	seq.s32 s5, $0x0;
	s5 =	sld [smem:$0x3FAA]  }
0x2b: {  	s6 =	sld [smem:$0x3FAB]  }
0x2c: {  	s7 =	sld [smem:$0x3FAC]  }
0x2d: {  	s3 =	simm.s32 $0x108;
	s8 =	sld [smem:$0x3FAD]  }
0x2e: {  	s3 =	simm.s32 @!p0 $0x1082;
	s9 =	sld [smem:$0x3FAE]  }
0x2f: {  	lr =	sadd.s32 s0, s3;
	s0 =	sld [smem:$0x3FA5]  }
0x30: {  	s3 =	sld [smem:$0x3FA8]  }
0x31: {  	[smem:$0x3FB1] =	sst s10  }
0x32: {  	s10 =	sld [smem:$0x3FAF];
	_ =	sdelay $0x3  }
0x33: {  	p0 =	seq.s32 s10, $0x1;
	s10 =	sld [smem:$0x3FB1];
	_ =	sdelay $0x3  }
0x34: {  	[smem:$0x3FB1] =	sst s10  }
0x35: {  	s10 =	sld [smem:$0x3FB0];
	_ =	sdelay $0x3  }
0x36: {  	p1 =	seq.s32 s10, $0x1;
	s10 =	sld [smem:$0x3FB1];
	_ =	sdelay $0x3  }
0x37: {  	[smem:$0x3FB1] =	sst s10  }
0x38: {  	s10 =	sld [smem:$0x3FB2]  }
0x39: {  	_ = 	snop;
	(pc) =	sbr.ind lr, $3  }
0x3a: {  	_ = 	snop  }
0x3b: {  	_ = 	snop  }
0x3c: {  	p2 =	seq.s32 s10, $0x1;
	s10 =	sld [smem:$0x3FB1]  }
0x3d: {  	_ =	shalt  }
0x3e: {  	_ =	shalt  }
0x3f: {  	_ =	shalt  }
0x40: {  	_ =	shalt  }
0x41: {  	_ =	shalt  }
0x42: {  	_ =	shalt  }
0x43: {  	_ =	shalt  }
0x44: {  	_ =	shalt  }
0x45: {  	_ =	shalt  }
0x46: {  	_ =	shalt  }
0x47: {  	_ =	shalt  }
0x48: {  	_ =	shalt  }
0x49: {  	_ =	shalt  }
0x4a: {  	_ =	shalt  }
0x4b: {  	_ =	shalt  }
0x4c: {  	_ =	shalt  }
0x4d: {  	_ =	shalt  }
0x4e: {  	_ =	shalt  }
0x4f: {  	_ =	shalt  }
0x50: {  	_ =	shalt  }
0x51: {  	_ =	shalt  }
0x52: {  	_ =	shalt  }
0x53: {  	_ =	shalt  }
0x54: {  	_ =	shalt  }
0x55: {  	_ =	shalt  }
0x56: {  	_ =	shalt  }
0x57: {  	_ =	shalt  }
0x58: {  	_ =	shalt  }
0x59: {  	_ =	shalt  }
0x5a: {  	_ =	shalt  }
0x5b: {  	_ =	shalt  }
0x5c: {  	_ =	shalt  }
0x5d: {  	_ =	shalt  }
0x5e: {  	_ =	shalt  }
0x5f: {  	_ =	shalt  }
0x60: {  	_ =	shalt  }
0x61: {  	_ =	shalt  }
0x62: {  	_ =	shalt  }
0x63: {  	_ =	shalt  }
0x64: {  	_ =	shalt  }
0x65: {  	_ =	shalt  }
0x66: {  	_ =	shalt  }
0x67: {  	_ =	shalt  }
0x68: {  	_ =	shalt  }
0x69: {  	_ =	shalt  }
0x6a: {  	_ =	shalt  }
0x6b: {  	_ =	shalt  }
0x6c: {  	_ =	shalt  }
0x6d: {  	_ =	shalt  }
0x6e: {  	_ =	shalt  }
0x6f: {  	_ =	shalt  }
0x70: {  	_ =	shalt  }
0x71: {  	_ =	shalt  }
0x72: {  	_ =	shalt  }
0x73: {  	_ =	shalt  }
0x74: {  	_ =	shalt  }
0x75: {  	_ =	shalt  }
0x76: {  	_ =	shalt  }
0x77: {  	_ =	shalt  }
0x78: {  	_ =	shalt  }
0x79: {  	_ =	shalt  }
0x7a: {  	_ =	shalt  }
0x7b: {  	_ =	shalt  }
0x7c: {  	_ =	shalt  }
0x7d: {  	_ =	shalt  }
0x7e: {  	_ =	shalt  }
0x7f: {  	_ =	shalt  }
0x80: {  	_ =	shalt  }
0x81: {  	_ =	shalt  }
0x82: {  	_ =	shalt  }
0x83: {  	_ =	shalt  }
0x84: {  	_ =	shalt  }
0x85: {  	_ =	shalt  }
0x86: {  	_ =	shalt  }
0x87: {  	_ =	shalt  }
.Lfunc_end0:
.L_simem_size_0:
called_computation.2_lowered:
.L_overlay_start_0:
0x88: {  	s2 =	sld [smem:$0x3FD9]  }
0x89: {  	s3 =	sld [smem:$0x3FFE];
	_ =	sdelay $0x1  }
0x8a: {  	s1 =	srdreg.scid  }
0x8b: {  	s0 =	sand.u32 $0x1, s1  }
0x8c: {  	s16 =	sshll.u32 s0, $0xA;
	s2 =	sadd.s32 s3, s2  }
0x8d: {  	s2 =	sadd.s32 s2, s16  }
0x8e: {  	[smem:$0x3FBD] =	sst s2  }
0x8f: {  	_ = 	snop  }
0x90: {  	(tm) =	ssettm $0x1  }
0x91: {  	s17 =	sld [smem:$0x3FFB];
	_ =	sdelay $0x3  }
0x92: {  	_ =	strace s17  }
0x93: {  	s2 =	sld [smem:$0x3FFC];
	_ =	sdelay $0x3  }
0x94: {  	_ =	strace s2  }
0x95: {  	s2 =	sld [smem:$0x3FFD];
	_ =	sdelay $0x3  }
0x96: {  	_ =	strace s2  }
0x97: {  	_ =	strace $0x8FFFFFFF  }
0x98: {  	s18 =	sld [smem:$0x3FDB];
	_ =	sdelay $0x1  }
0x99: {  	s19 =	simm.s32 $_scs_section_size  }
0x9a: {  	s4 =	simm.s32 $_size__tile_overlayer_lowered;
	s5 =	simm.s32 $_tile_overlayer_lowered  }
0x9b: {  	s22 =	simm.s32 $0x1BFF;
	s21 =	sshll.u32 s5, $0x1;
	s2 =	sadd.s32 s19, s18  }
0x9c: {  	s6 =	simm.s32 $0x0;
	s20 =	sshll.u32 s4, $0x1;
	s4 =	sadd.s32 s21, s2  }
0x9d: {  	[timem:s6], [sflag:s22] =	dma.local [hbm:s4], s20  }
0x9e: {  	_ =	swait.ge [sflag:s22], s20  }
0x9f: {  	s3 =	ssub.s32 $0x0, s20;
	[sflag:s22] =	ssyncset.done $0x0  }
0xa0: {  	[sflag:s22] =	ssyncadd.s32 s3;
	_ =	sdelay $0x1  }
0xa1: {  	s23 =	simm.s32 $0x1B8B  }
0xa2: {  	_ =	swait.ge [sflag:s23], $0x1  }
0xa3: {  	[sflag:s23] =	ssyncset.done $0x0  }
0xa4: {  	s25 =	simm.s32 $0x1B8E;
	s24 =	sld [smem:$0x3FFE];
	[sflag:s23] =	ssyncadd.s32 $0xFFFFFFFF  }
0xa5: {  	s26 =	simm.s32 $execute0_lowered;
	[smem:$0x3FD2] =	sst s25  }
0xa6: {  	s4 =	sshll.u32 s26, $0x1;
	_ =	strace $0x80000046;
	[dreg:$0x1] =	wrdreg $0xFFFFFFFF  }
0xa7: {  	s28 =	simm.s32 $_size_execute0_lowered;
	s2 =	sadd.s32 s2, s4;
	[dreg:$0x0] =	wrdreg $0x0  }
0xa8: {  	s4 =	sshll.u32 s28, $0x1;
	[dreg:$0x2] =	wrdreg s2  }
0xa9: {  	[dreg:$0x3] =	wrdreg s4  }
0xaa: {  	[dreg:$0x4] =	wrdreg $0xC0  }
0xab: {  	_ =	task [dreg:s6], $0x5FFFF  }
0xac: {  	[dreg:$0x1] =	wrdreg $0xFFFFFFFF  }
0xad: {  	[dreg:$0x0] =	wrdreg $0x60  }
0xae: {  	[dreg:$0x2] =	wrdreg s24  }
0xaf: {  	[dreg:$0x3] =	wrdreg $0x9  }
0xb0: {  	_ =	task.clear_ibuf [dreg:s6], $0x4FFFF;
	_ =	strace $0x90000046  }
0xb1: {  	s29 =	simm.s32 $0x9;
	_ =	strace $0x80000048  }
0xb2: {  	_ =	swait.ge [sflag:s29], $0x1  }
0xb3: {  	[sflag:s29] =	ssyncadd.s32 $0xFFFFFFFF  }
0xb4: {  	_ =	strace $0x90000048  }
0xb5: {  	_ =	sfence  }
0xb6: {  	s30 =	sld [smem:$0x0];
	_ =	sdelay $0x2  }
0xb7: {  	s31 =	sshll.u32 s1, $0xD;
	s1 =	sshrl.u32 s1, $0x2  }
0xb8: {  	s3 =	sand.u32 $0x4000, s31;
	s1 =	sadd.s32 s1, s30  }
0xb9: {  	s0 =	sor.u32 s3, s0;
	s1 =	sshll.u32 s1, $0x11  }
0xba: {  	s0 =	sor.u32 s1, s0  }
0xbb: {  	s0 =	sadd.s32 $0x8F2B, s0  }
0xbc: {  	[sflag:s0] =	ssyncadd.remote.s32 $0x1  }
0xbd: {  	_ =	sfence.sel $0xFFFF  }
0xbe: {  	[dreg:$0x0] =	wrdreg $0xFFFFFFFF;
	(pc) =	sbr.abs _section_cstart, $3  }
0xbf: {  	[dreg:$0x1] =	wrdreg $0xFFFFFFFF  }
0xc0: {  	_ =	task.clear_ibuf [dreg:s6], $0x2FFFF;
	_ =	strace $0x9FFFFFFF  }
0xc1: {  	(tm) =	ssettm $0x7FFFFFFF  }
tec
execute0_lowered:
.L_overlay_start_1:
0x0: {  	(tag) =	ssettag $0x1  }
0x1: {  	s1 =	srdreg.scid  }
0x2: {  	s0 =	stileid.u32;
	s2 =	rddreg [dreg:$0x0];
	s6 =	simm.s32 $0x1  }
0x3: {  	s9 =	simm.s32 $0x1;
	s10 =	simm.s32 $0x3;
	s1 =	sshll.u32 s1, $0xB  }
0x4: {  	s13 =	simm.s32 $0x0;
	s3 =	sshll.u32 s0, $0xC;
	s4 =	sand.u32 $0x800, s1  }
0x5: {  	s12 =	simm.s32 $0x0;
	s5 =	sadd.s32 $0xC800, s2;
	s3 =	sor.u32 s3, s4  }
0x6: {  	s1 =	rddreg [dreg:$0x1];
	_ =	strace $0x80000047;
	s8 =	ssub.s32 $0x20000, s3  }
.Ltmp0:
0x7: {  	s4 =	sadd.s32 $0x20C000, s2;
	s7 =	sand.u32 $0xF800, s8;
	(pc) =	sbr.rel .LBB2_1-.Ltmp0, $4  }
0x8: {  	[sflag:s6] =	ssyncpa.u1 $0x0;
	s11 =	smov.u32 s3;
	p0 =	sne.s32 s7, $0x0  }
0x9: {  	s8 =	sshrl.u32 s8, $0x10;
	s7 =	simm.s32 $0x2;
	s9 =	simm.s32 @!p0 $0x0  }
0xa: {  	[sflag:s7] =	ssyncpa.u1 $0x0;
	p0 =	por $0x0, $0x0;
	s8 =	sadd.s32 s9, s8  }
0xb: {  	vm0 =	vmmov $0xffff;
	[sflag:s10] =	ssyncpa.u1 $0x0;
	s10 =	simm.s32 $0x0;
	s9 =	sadd.s32 $0x1, s8  }
.LBB2_4:
0xc: {  	vm1 =	veq.s32 v0, $0x80000000;
	v63 =	vand.u32 $0xFFF, v0;
	v2 =	vand.u32 $0xFFF, v2  }
0xd: {  	v0 =	vsel vm1, $0xFFFFFFFF, v63;
	v2 =	vsel vm1, $0xFFFFFFFF, v2  }
0xe: {  	v3 =	vshll.u32 v0, $0xC;
	v4 =	vshll.u32 v2, $0x3  }
0xf: {  	v0 =	vshll.u32 v0, $0x7;
	v3 =	vand.u32 $0xFFFF8000, v3;
	v4 =	vand.u32 $0xFFFFFC00, v4  }
0x10: {  	v0 =	vand.u32 $0x380, v0;
	v3 =	vadd.s32 v3, v4  }
0x11: {  	v2 =	vand.u32 $0x7F, v2;
	v0 =	vor.u32 v0, v3  }
0x12: {  	v0 =	vor.u32 v2, v0;
	_ =	sdelay $0x1  }
0x13: {  	(ifvalue) =	ssetifvalue $0x7FFFFFFF;
	s14 =	sadd.s32 $0x10, s14  }
0x14: {  	[tilespmem:s14], [sflag:$0x1] =	stream.indirect_vreg.gather [hbm4b:s4+s10], $0x1, v1, vm0, $0x4038;
	[tilespmem:$0x2000] =	vst v63  }
0x15: {  	(ifvalue) =	ssetifvalue $0x7FFFFFFF;
	s14 =	sadd.s32 $0x10, s14  }
0x16: {  	[tilespmem:s14], [sflag:$0x1] =	stream.indirect_vreg.gather [hbm4b:s4+s10], $0x1, v0, vm0, $0x4038;
	[tilespmem:$0x2000] =	vst v63  }
0x17: {  	_ =	swait.ge [sflag:s6], $0x800  }
0x18: {  	s30 =	sshrl.u32 s13, $0x3;
	[sflag:s6] =	ssyncset.done $0x0  }
0x19: {  	s31 =	sand.u32 $0x7, s13;
	s14 =	sadd.s32 s5, s30;
	[sflag:s6] =	ssyncadd.s32 $0xFFFFF800  }
0x1a: {  	[hbm4b:s14+s31] =	stream.linear.scatter [tilespmem:s15], [sflag:$0x3], $0x800, $0x38;
	[tilespmem:$0x2000] =	vst v63  }
.LBB2_5:
0x1b: {  	s15 =	sadd.s32 $0x10000, s11  }
0x1c: {  	p2 =	sgt.s32 s15, $0x1FFFF  }
0x1d: {  	s15 =	smov.u32 @p2 s3;
	p2 =	sne.s32 s12, s9  }
.Ltmp1:
0x1e: {  	p1 =	slt.u32 s12, $0x2;
	(pc) =	sbr.rel @!p2 .LBB2_6-.Ltmp1, $4  }
0x1f: {  	s14 =	simm.s32 @!p1 $0x3  }
0x20: {  	s16 =	sadd.s32 $0x1, s12;
	_ =	swait.ge @!p1 [sflag:s14], $0x800  }
0x21: {  	s13 =	smov.u32 s11;
	p0 =	por !p0, !p0;
	[sflag:s14] =	ssyncset.done @!p1 $0x0  }
0x22: {  	s12 =	smov.u32 s16;
	s11 =	smov.u32 s15;
	[sflag:s14] =	ssyncadd.s32 @!p1 $0xFFFFF800  }
.LBB2_1:
0x23: {  	p1 =	sge.u32 s12, s8  }
0x24: {  	s14 =	sxor.u32 @!p1 $0xFFFFFFFF, s12  }
0x25: {  	s31 =	sadd.s32 $0xFFFFFFFF, s12;
	s15 =	sshrl.u32 @!p1 s11, $0x3;
	s14 =	sshll.u32 @!p1 s14, $0xB  }
0x26: {  	s16 =	sand.u32 @!p1 $0x7, s11;
	s15 =	sadd.s32 @!p1 s2, s15;
	s14 =	sand.u32 @!p1 $0x800, s14  }
0x27: {  	[tilespmem:s14], [sflag:$0x2] =	stream.linear.gather @!p1 [hbm4b:s15+s16], $0x800, $0x38;
	[tilespmem:$0x2000] =	vst v63  }
0x28: {  	p1 =	sge.u32 s31, s8  }
.Ltmp2:
0x29: {  	_ = 	snop;
	(pc) =	sbr.rel @p1 .LBB2_5-.Ltmp2, $1  }
0x2a: {  	_ =	sdelay $0x3  }
0x2b: {  	s14 =	simm.s32 $0x1  }
0x2c: {  	_ =	swait.ge [sflag:s7], $0x800;
	s14 =	simm.s32 @!p0 $0x0  }
0x2d: {  	[sflag:s7] =	ssyncset.done $0x0;
	s14 =	sshll.u32 s14, $0xB  }
0x2e: {  	[sflag:s7] =	ssyncadd.s32 $0xFFFFF800;
	(ifvalue) =	ssetifvalue $0x7FFFFFFF;
	v0 =	vld.msk [tilespmem:s14+$0x0 ss:$0x1], $0xffff;
	_ =	sdelay $0x3  }
0x2f: {  	s15 =	sadd.s32 $0x10, s14  }
0x30: {  	v2 =	vld.msk [tilespmem:s15+$0x0 ss:$0x1], $0xffff;
	v1 =	vshrl.u32 v0, $0xC  }
0x31: {  	vm1 =	veq.s32 v0, $0x80000000;
	v0 =	vand.u32 $0xFFF, v0;
	v1 =	vand.u32 $0xFFF, v1  }
0x32: {  	v0 =	vsel vm1, $0xFFFFFFFF, v0;
	v1 =	vsel vm1, $0xFFFFFFFF, v1  }
0x33: {  	v3 =	vshll.u32 v0, $0xC;
	v4 =	vshll.u32 v1, $0x3  }
0x34: {  	v0 =	vshll.u32 v0, $0x7;
	v3 =	vand.u32 $0xFFFF8000, v3;
	v4 =	vand.u32 $0xFFFFFC00, v4  }
0x35: {  	vm1 =	veq.s32 v2, $0x80000000;
	v0 =	vand.u32 $0x380, v0;
	v3 =	vadd.s32 v3, v4  }
0x36: {  	v1 =	vand.u32 $0x7F, v1;
	v0 =	vor.u32 v0, v3;
	v3 =	vshrl.u32 v2, $0xC  }
0x37: {  	s17 =	sadd.s32 $0x10, s15;
	v2 =	vand.u32 $0xFFF, v2;
	v1 =	vor.u32 v1, v0;
	v3 =	vand.u32 $0xFFF, v3  }
0x38: {  	v0 =	vld.msk [tilespmem:s17+$0x0 ss:$0x1], $0xffff;
	v2 =	vsel vm1, $0xFFFFFFFF, v2;
	v3 =	vsel vm1, $0xFFFFFFFF, v3  }
0x39: {  	v63 =	vshll.u32 v2, $0xC;
	v5 =	vshll.u32 v3, $0x3  }
0x3a: {  	s31 =	sshll.u32 s12, $0xB;
	v2 =	vshll.u32 v2, $0x7;
	v4 =	vand.u32 $0xFFFF8000, v63;
	v5 =	vand.u32 $0xFFFFFC00, v5  }
0x3b: {  	s14 =	sor.u32 $0x1000, s14;
	s15 =	sand.u32 $0x800, s31;
	(ifvalue) =	ssetifvalue $0x7FFFFFFF;
	v2 =	vand.u32 $0x380, v2;
	v4 =	vadd.s32 v4, v5  }
0x3c: {  	[tilespmem:s14], [sflag:$0x1] =	stream.indirect_vreg.gather [hbm4b:s4+s10], $0x1, v1, vm0, $0x4038;
	v1 =	vand.u32 $0x7F, v3;
	v3 =	vor.u32 v2, v4;
	[tilespmem:$0x2000] =	vst v63  }
0x3d: {  	s16 =	simm.s32 $0x20;
	s15 =	sor.u32 $0x1000, s15;
	s17 =	sadd.s32 $0x10, s17;
	v2 =	vshrl.u32 v0, $0xC;
	v1 =	vor.u32 v1, v3  }
.LBB2_3:
0x3e: {  	s16 =	sadd.s32 $0x10, s16;
	vm1 =	veq.s32 v0, $0x80000000;
	v3 =	vand.u32 $0xFFF, v0;
	v0 =	vld.msk [tilespmem:s17+$0x0 ss:$0x1], $0xffff;
	v2 =	vand.u32 $0xFFF, v2  }
0x3f: {  	p1 =	slt.u32 s16, $0x7F0;
	v3 =	vsel vm1, $0xFFFFFFFF, v3;
	v2 =	vsel vm1, $0xFFFFFFFF, v2  }
.Ltmp3:
0x40: {  	v4 =	vshll.u32 v3, $0xC;
	v5 =	vshll.u32 v2, $0x3;
	(pc) =	sbr.rel @p1 .LBB2_3-.Ltmp3, $4  }
0x41: {  	s14 =	sadd.s32 $0x10, s14;
	v3 =	vshll.u32 v3, $0x7;
	v4 =	vand.u32 $0xFFFF8000, v4;
	v5 =	vand.u32 $0xFFFFFC00, v5;
	(ifvalue) =	ssetifvalue $0x7FFFFFFF  }
0x42: {  	v3 =	vand.u32 $0x380, v3;
	v4 =	vadd.s32 v4, v5;
	[tilespmem:s14], [sflag:$0x1] =	stream.indirect_vreg.gather [hbm4b:s4+s10], $0x1, v1, vm0, $0x4038;
	[tilespmem:$0x2000] =	vst v63  }
0x43: {  	v1 =	vand.u32 $0x7F, v2;
	v3 =	vor.u32 v3, v4  }
0x44: {  	s17 =	sadd.s32 $0x10, s17;
	v2 =	vshrl.u32 v0, $0xC;
	v1 =	vor.u32 v1, v3  }
.Ltmp4:
0x45: {  	_ = 	snop;
	(pc) =	sbr.rel .LBB2_4-.Ltmp4, $1  }
0x46: {  	_ =	sdelay $0x3  }
.LBB2_6:
0x47: {  	_ =	sfence.sel $0x180000  }
0x48: {  	s2 =	simm.s32 $0x2;
	[bflag:$0x0] =	sbarrier.arrive $0xFFFF  }
0x49: {  	s30 =	simm.s32 $0x3;
	[sflag:s2] =	ssyncpa.u1 $0x1  }
0x4a: {  	s31 =	simm.s32 $0x1;
	[sflag:s30] =	ssyncpa.u1 $0x1  }
0x4b: {  	[sflag:s31] =	ssyncpa.u1 $0x1  }
0x4c: {  	p0 =	sne.s32 s0, $0x0;
	_ =	strace $0x90000047  }
0x4d: {  	s0 =	sadd.s32 @!p0 $0x100000, s1;
	[bflag:$0x2] =	sbarrier.arrive $0xFFFF  }
0x4e: {  	[sflag:s0] =	ssyncadd.tile.s32 @!p0 $0x1;
	_ =	shalt  }
.Lfunc_end2:
_tile_overlayer_lowered:
.L_overlay_start_2:
0x4f: {  	(tag) =	ssettag $0x2  }
0x50: {  	s0 =	rddreg [dreg:$0x0];
	s2 =	stileid.u32  }
0x51: {  	s1 =	rddreg [dreg:$0x1];
	p0 =	sne.s32 s2, $0x0  }
0x52: {  	s3 =	rddreg [dreg:$0x2];
	[bflag:$0x3] =	sbarrier.arrive $0xFFFF;
	s2 =	simm.s32 @!p0 $0x1C01  }
0x53: {  	[timem:s3], [sflag:s2] =	dma.local @!p0 [hbm:s0], s1  }
0x54: {  	s0 =	simm.s32 @!p0 $0x1  }
0x55: {  	_ =	swait.ge @!p0 [sflag:s0], s1  }
0x56: {  	s1 =	ssub.s32 @!p0 $0x0, s1;
	[sflag:s0] =	ssyncset.done @!p0 $0x0  }
0x57: {  	[sflag:s0] =	ssyncadd.s32 @!p0 s1  }
0x58: {  	[bflag:$0x3] =	sbarrier.arrive $0xFFFF  }
0x59: {  	_ =	shalt  }

// kernel: scatter_offload_async_start.1
scs
__scs_entry_jumppad:
0x0: {  	(pc) =	sbr.rel $0x88, $3  }
0x1: {  	(tag) =	ssettag $0x0;
	lr =	simm.s32 $0x1  }
0x2: {  	[smem:$0x3F96] =	sst lr;
	_ =	strace $0xD0000000  }
0x3: {  	_ = 	snop  }
0x4: {  	_ = 	snop  }
0x5: {  	_ = 	snop  }
0x6: {  	_ = 	snop  }
0x7: {  	_ = 	snop  }
__scs_overlays_trampoline_lowered:
0x8: {  	[smem:$0x3FA5] =	sst s0  }
0x9: {  	[smem:$0x3FA6] =	sst s1  }
0xa: {  	[smem:$0x3FA7] =	sst s2  }
0xb: {  	[smem:$0x3FA8] =	sst s3  }
0xc: {  	[smem:$0x3FA9] =	sst s4  }
0xd: {  	[smem:$0x3FAA] =	sst s5  }
0xe: {  	[smem:$0x3FAB] =	sst s6  }
0xf: {  	[smem:$0x3FAC] =	sst s7  }
0x10: {  	[smem:$0x3FAD] =	sst s8  }
0x11: {  	[smem:$0x3FAE] =	sst s9;
	s0 =	simm.s32 @!p0 $0x0  }
0x12: {  	s1 =	sld [smem:$0x3F94];
	s0 =	simm.s32 @p0 $0x1  }
0x13: {  	[smem:$0x3FAF] =	sst s0;
	s0 =	simm.s32 @!p1 $0x0  }
0x14: {  	s2 =	sld [smem:$0x3F93];
	s0 =	simm.s32 @p1 $0x1  }
0x15: {  	[smem:$0x3FB0] =	sst s0;
	s0 =	simm.s32 @!p2 $0x0  }
0x16: {  	s3 =	sld [smem:$0x3FDB];
	s0 =	simm.s32 @p2 $0x1  }
0x17: {  	s4 =	simm.s32 $0x1BF5;
	[smem:$0x3FB2] =	sst s0  }
0x18: {  	s0 =	sld [smem:$0x3F95];
	_ =	swait.ge [sflag:s4], $0x0  }
0x19: {  	s7 =	sld [smem:$0x3F96]  }
0x1a: {  	s8 =	sadd.s32 $0xFFFFE003, lr  }
0x1b: {  	s9 =	sadd.s32 $0xFFFFFEF7, lr;
	s5 =	simm.s32 $0xFFFFFFFF;
	p2 =	slt.u32 s8, $0xFFFFF086  }
0x1c: {  	p1 =	slt.u32 s9, $0xF7A;
	s5 =	simm.s32 @!p2 $0x0  }
0x1d: {  	s5 =	simm.s32 @p1 $0x1;
	p0 =	seq.s32 s7, s2  }
0x1e: {  	s7 =	smul.u32 @!p0 $0xF7A, s2;
	p2 =	seq.s32 @!p0 s5, $0x0  }
0x1f: {  	s9 =	smul.u32 $0xF7A, s1;
	s8 =	simm.s32 @!p0 $0x1BF5;
	p2 =	por !p2, p0  }
0x20: {  	[sflag:s8] =	ssyncset.s32 @!p0 $0xFFFFF086;
	s6 =	sadd.s32 @!p0 s3, s7;
	s7 =	simm.s32 @!p0 $0x108  }
0x21: {  	s3 =	sadd.s32 s3, s9;
	s6 =	sadd.s32 @!p0 $0x88, s6;
	s7 =	simm.s32 @p2 $0x1082  }
0x22: {  	[simem:s7], [sflag:s8] =	dma.local @!p0 [hbm:s6], $0xF7A  }
0x23: {  	s9 =	sor.u32 $0xD0000000, s2;
	s6 =	simm.s32 $0x108;
	_ =	swait.ge @!p0 [sflag:s8], $0x0  }
0x24: {  	s3 =	sadd.s32 $0x88, s3;
	s6 =	simm.s32 @!p1 $0x1082;
	[sflag:s4] =	ssyncset.s32 $0xFFFFF086  }
0x25: {  	[simem:s6], [sflag:s4] =	dma.local [hbm:s3], $0xF7A  }
0x26: {  	[smem:$0x3F96] =	sst s1;
	(tag) =	ssettag s2;
	_ =	strace s9  }
0x27: {  	s1 =	sld [smem:$0x3FA6]  }
0x28: {  	s2 =	sld [smem:$0x3FA7]  }
0x29: {  	s4 =	sld [smem:$0x3FA9]  }
0x2a: {  	p0 =	seq.s32 s5, $0x0;
	s5 =	sld [smem:$0x3FAA]  }
0x2b: {  	s6 =	sld [smem:$0x3FAB]  }
0x2c: {  	s7 =	sld [smem:$0x3FAC]  }
0x2d: {  	s3 =	simm.s32 $0x108;
	s8 =	sld [smem:$0x3FAD]  }
0x2e: {  	s3 =	simm.s32 @!p0 $0x1082;
	s9 =	sld [smem:$0x3FAE]  }
0x2f: {  	lr =	sadd.s32 s0, s3;
	s0 =	sld [smem:$0x3FA5]  }
0x30: {  	s3 =	sld [smem:$0x3FA8]  }
0x31: {  	[smem:$0x3FB1] =	sst s10  }
0x32: {  	s10 =	sld [smem:$0x3FAF];
	_ =	sdelay $0x3  }
0x33: {  	p0 =	seq.s32 s10, $0x1;
	s10 =	sld [smem:$0x3FB1];
	_ =	sdelay $0x3  }
0x34: {  	[smem:$0x3FB1] =	sst s10  }
0x35: {  	s10 =	sld [smem:$0x3FB0];
	_ =	sdelay $0x3  }
0x36: {  	p1 =	seq.s32 s10, $0x1;
	s10 =	sld [smem:$0x3FB1];
	_ =	sdelay $0x3  }
0x37: {  	[smem:$0x3FB1] =	sst s10  }
0x38: {  	s10 =	sld [smem:$0x3FB2]  }
0x39: {  	_ = 	snop;
	(pc) =	sbr.ind lr, $3  }
0x3a: {  	_ = 	snop  }
0x3b: {  	_ = 	snop  }
0x3c: {  	p2 =	seq.s32 s10, $0x1;
	s10 =	sld [smem:$0x3FB1]  }
0x3d: {  	_ =	shalt  }
0x3e: {  	_ =	shalt  }
0x3f: {  	_ =	shalt  }
0x40: {  	_ =	shalt  }
0x41: {  	_ =	shalt  }
0x42: {  	_ =	shalt  }
0x43: {  	_ =	shalt  }
0x44: {  	_ =	shalt  }
0x45: {  	_ =	shalt  }
0x46: {  	_ =	shalt  }
0x47: {  	_ =	shalt  }
0x48: {  	_ =	shalt  }
0x49: {  	_ =	shalt  }
0x4a: {  	_ =	shalt  }
0x4b: {  	_ =	shalt  }
0x4c: {  	_ =	shalt  }
0x4d: {  	_ =	shalt  }
0x4e: {  	_ =	shalt  }
0x4f: {  	_ =	shalt  }
0x50: {  	_ =	shalt  }
0x51: {  	_ =	shalt  }
0x52: {  	_ =	shalt  }
0x53: {  	_ =	shalt  }
0x54: {  	_ =	shalt  }
0x55: {  	_ =	shalt  }
0x56: {  	_ =	shalt  }
0x57: {  	_ =	shalt  }
0x58: {  	_ =	shalt  }
0x59: {  	_ =	shalt  }
0x5a: {  	_ =	shalt  }
0x5b: {  	_ =	shalt  }
0x5c: {  	_ =	shalt  }
0x5d: {  	_ =	shalt  }
0x5e: {  	_ =	shalt  }
0x5f: {  	_ =	shalt  }
0x60: {  	_ =	shalt  }
0x61: {  	_ =	shalt  }
0x62: {  	_ =	shalt  }
0x63: {  	_ =	shalt  }
0x64: {  	_ =	shalt  }
0x65: {  	_ =	shalt  }
0x66: {  	_ =	shalt  }
0x67: {  	_ =	shalt  }
0x68: {  	_ =	shalt  }
0x69: {  	_ =	shalt  }
0x6a: {  	_ =	shalt  }
0x6b: {  	_ =	shalt  }
0x6c: {  	_ =	shalt  }
0x6d: {  	_ =	shalt  }
0x6e: {  	_ =	shalt  }
0x6f: {  	_ =	shalt  }
0x70: {  	_ =	shalt  }
0x71: {  	_ =	shalt  }
0x72: {  	_ =	shalt  }
0x73: {  	_ =	shalt  }
0x74: {  	_ =	shalt  }
0x75: {  	_ =	shalt  }
0x76: {  	_ =	shalt  }
0x77: {  	_ =	shalt  }
0x78: {  	_ =	shalt  }
0x79: {  	_ =	shalt  }
0x7a: {  	_ =	shalt  }
0x7b: {  	_ =	shalt  }
0x7c: {  	_ =	shalt  }
0x7d: {  	_ =	shalt  }
0x7e: {  	_ =	shalt  }
0x7f: {  	_ =	shalt  }
0x80: {  	_ =	shalt  }
0x81: {  	_ =	shalt  }
0x82: {  	_ =	shalt  }
0x83: {  	_ =	shalt  }
0x84: {  	_ =	shalt  }
0x85: {  	_ =	shalt  }
0x86: {  	_ =	shalt  }
0x87: {  	_ =	shalt  }
.Lfunc_end0:
.L_simem_size_0:
called_computation.1_lowered:
.L_overlay_start_0:
0x88: {  	s0 =	sld [smem:$0x3FD9]  }
0x89: {  	s1 =	sld [smem:$0x3FFE];
	_ =	sdelay $0x3  }
0x8a: {  	s0 =	sadd.s32 s1, s0  }
0x8b: {  	[smem:$0x3FBD] =	sst s0  }
0x8c: {  	_ = 	snop  }
0x8d: {  	(tm) =	ssettm $0x1  }
0x8e: {  	s15 =	sld [smem:$0x3FFB];
	_ =	sdelay $0x3  }
0x8f: {  	_ =	strace s15  }
0x90: {  	s0 =	sld [smem:$0x3FFC];
	_ =	sdelay $0x3  }
0x91: {  	_ =	strace s0  }
0x92: {  	s0 =	sld [smem:$0x3FFD];
	_ =	sdelay $0x3  }
0x93: {  	_ =	strace s0  }
0x94: {  	_ =	strace $0x8FFFFFFF  }
0x95: {  	s16 =	sld [smem:$0x3FDB];
	_ =	sdelay $0x1  }
0x96: {  	s17 =	simm.s32 $_scs_section_size  }
0x97: {  	s2 =	simm.s32 $_size__tile_overlayer_lowered;
	s3 =	simm.s32 $_tile_overlayer_lowered  }
0x98: {  	s20 =	simm.s32 $0x1BFF;
	s19 =	sshll.u32 s3, $0x1;
	s0 =	sadd.s32 s17, s16  }
0x99: {  	s4 =	simm.s32 $0x0;
	s18 =	sshll.u32 s2, $0x1;
	s2 =	sadd.s32 s19, s0  }
0x9a: {  	[timem:s4], [sflag:s20] =	dma.local [hbm:s2], s18  }
0x9b: {  	_ =	swait.ge [sflag:s20], s18  }
0x9c: {  	s1 =	ssub.s32 $0x0, s18;
	[sflag:s20] =	ssyncset.done $0x0  }
0x9d: {  	[sflag:s20] =	ssyncadd.s32 s1;
	_ =	sdelay $0x1  }
0x9e: {  	s21 =	simm.s32 $0x1B8B  }
0x9f: {  	_ =	swait.ge [sflag:s21], $0x1  }
0xa0: {  	[sflag:s21] =	ssyncset.done $0x0  }
0xa1: {  	s23 =	simm.s32 $0x1B8E;
	s22 =	sld [smem:$0x3FFE];
	[sflag:s21] =	ssyncadd.s32 $0xFFFFFFFF  }
0xa2: {  	s24 =	simm.s32 $execute0_lowered;
	[smem:$0x3FD2] =	sst s23  }
0xa3: {  	s2 =	sshll.u32 s24, $0x1;
	_ =	strace $0x8000004C;
	[dreg:$0x1] =	wrdreg $0xFFFFFFFF  }
0xa4: {  	s25 =	simm.s32 $_size_execute0_lowered;
	s0 =	sadd.s32 s0, s2;
	[dreg:$0x0] =	wrdreg $0x0  }
0xa5: {  	s2 =	sshll.u32 s25, $0x1;
	[dreg:$0x2] =	wrdreg s0  }
0xa6: {  	[dreg:$0x3] =	wrdreg s2  }
0xa7: {  	[dreg:$0x4] =	wrdreg $0xC0  }
0xa8: {  	_ =	task [dreg:s4], $0x5FFFF  }
0xa9: {  	[dreg:$0x1] =	wrdreg $0xFFFFFFFF  }
0xaa: {  	[dreg:$0x0] =	wrdreg $0x60  }
0xab: {  	[dreg:$0x2] =	wrdreg s22  }
0xac: {  	[dreg:$0x3] =	wrdreg $0xA  }
0xad: {  	_ =	task.clear_ibuf [dreg:s4], $0x4FFFF;
	_ =	strace $0x9000004C  }
0xae: {  	s26 =	simm.s32 $0xA;
	_ =	strace $0x8000004E  }
0xaf: {  	_ =	swait.ge [sflag:s26], $0x1  }
0xb0: {  	[sflag:s26] =	ssyncadd.s32 $0xFFFFFFFF  }
0xb1: {  	_ =	strace $0x9000004E  }
0xb2: {  	_ =	sfence  }
0xb3: {  	s28 =	sld [smem:$0x0];
	_ =	sdelay $0x1  }
0xb4: {  	s29 =	srdreg.scid  }
0xb5: {  	s30 =	sshll.u32 s29, $0xD;
	s31 =	sshrl.u32 s29, $0x2  }
0xb6: {  	s1 =	sand.u32 $0x1, s29;
	s2 =	sand.u32 $0x4000, s30;
	s0 =	sadd.s32 s31, s28  }
0xb7: {  	s1 =	sor.u32 s2, s1;
	s0 =	sshll.u32 s0, $0x11  }
0xb8: {  	s0 =	sor.u32 s0, s1  }
0xb9: {  	s0 =	sadd.s32 $0x8F2B, s0  }
0xba: {  	[sflag:s0] =	ssyncadd.remote.s32 $0x1  }
0xbb: {  	_ =	sfence.sel $0xFFFF  }
0xbc: {  	[dreg:$0x0] =	wrdreg $0xFFFFFFFF;
	(pc) =	sbr.abs _section_cstart, $3  }
0xbd: {  	[dreg:$0x1] =	wrdreg $0xFFFFFFFF  }
0xbe: {  	_ =	task.clear_ibuf [dreg:s4], $0x2FFFF;
	_ =	strace $0x9FFFFFFF  }
0xbf: {  	(tm) =	ssettm $0x7FFFFFFF  }
tec
execute0_lowered:
.L_overlay_start_1:
0x0: {  	(tag) =	ssettag $0x1  }
0x1: {  	s3 =	rddreg [dreg:$0x0];
	_ =	strace $0x8000004D;
	s4 =	simm.s32 $0x1  }
0x2: {  	v1 =	vimm.s32 $0xFFFFFFFF;
	[sflag:s4] =	ssyncpa.u1 $0x0  }
0x3: {  	[tilespmem:$0x10] =	vst v1  }
0x4: {  	v0 =	vimm.f32 $0.0e+00;
	[tilespmem:$0x20] =	vst v1  }
0x5: {  	[tilespmem:$0x30] =	vst v0  }
0x6: {  	s0 =	simm.s32 $0x2;
	s6 =	simm.s32 $0x7;
	[tilespmem:$0x40] =	vst v0  }
0x7: {  	s2 =	stileid.u32;
	s7 =	simm.s32 $0x8;
	s31 =	simm.s32 $0x9;
	[tilespmem:$0x50] =	vst v0  }
0x8: {  	s14 =	simm.s32 $0x0;
	s15 =	simm.s32 $0x100;
	s18 =	simm.s32 $0x10;
	[tilespmem:$0x60] =	vst v1  }
0x9: {  	s19 =	simm.s32 $0x12100;
	s20 =	simm.s32 $0xF;
	s21 =	simm.s32 $0x50;
	[tilespmem:$0x70] =	vst v1  }
0xa: {  	s22 =	simm.s32 $0x80FF;
	s23 =	simm.s32 $0x20;
	s24 =	simm.s32 $0x30;
	[tilespmem:$0x80] =	vst v1  }
0xb: {  	s25 =	simm.s32 $0x100FF;
	s26 =	simm.s32 $0x80;
	s30 =	simm.s32 $0x0;
	v1 =	vimm.s32 $0x0;
	[tilespmem:$0xB0] =	vst v0  }
.Ltmp0:
0xc: {  	s29 =	simm.s32 $0x0;
	s1 =	sadd.s32 $0x10A00, s3;
	[tilespmem:$0x90] =	vst v1;
	(pc) =	sbr.rel .LBB2_1-.Ltmp0, $4  }
0xd: {  	s5 =	sadd.s32 $0x8000, s3;
	s8 =	sshll.u32 s2, $0xD;
	[tilespmem:$0xA0] =	vst v1;
	[sflag:s0] =	ssyncpa.u1 $0x0  }
0xe: {  	s10 =	sshll.u32 s2, $0x1;
	s12 =	sshllo.u32 s2, $0x1;
	[sflag:s6] =	ssyncpa.u1 $0x0  }
0xf: {  	vm0 =	vmmov $0xffff;
	v2 =	vlaneseq.u32;
	s9 =	sadd.s32 $0x2000, s8;
	s11 =	sor.u32 $0x81, s10;
	[sflag:s7] =	ssyncpa.u1 $0x0  }
0x10: {  	vm1 =	vmxor vm1, vm1;
	vm2 =	vmmov $0x1;
	vm3 =	vcmask $0x3F3C;
	s13 =	sor.u32 $0x80, s10;
	s28 =	smov.u32 s8;
	[sflag:s31] =	ssyncpa.u1 $0x0  }
.LBB2_3:
0x11: {  	s0 =	sshrl.u32 s28, $0x3  }
0x12: {  	s2 =	sand.u32 $0x7, s28;
	s0 =	sadd.s32 s3, s0  }
0x13: {  	[tilespmem:s15], [sflag:$0x7] =	stream.linear.gather [hbm4b:s0+s2], $0x2000, $0x38;
	[tilespmem:$0x12120] =	vst v63  }
.LBB2_4:
0x14: {  	s0 =	sadd.s32 $0x2000, s28  }
0x15: {  	s2 =	smov.u32 s8;
	s29 =	sadd.s32 $0x1, s29;
	p0 =	slt.s32 s0, s9  }
0x16: {  	s2 =	smov.u32 @p0 s0;
	p0 =	sne.s32 s29, $0x4  }
.Ltmp1:
0x17: {  	_ = 	snop;
	(pc) =	sbr.rel @!p0 .LBB2_13-.Ltmp1, $2  }
0x18: {  	_ =	sdelay $0x2  }
0x19: {  	s30 =	smov.u32 s28;
	s28 =	smov.u32 s2  }
.LBB2_1:
0x1a: {  	p0 =	sgt.s32 s29, $0x1  }
.Ltmp2:
0x1b: {  	_ = 	snop;
	(pc) =	sbr.rel @p0 .LBB2_11-.Ltmp2, $1  }
0x1c: {  	_ =	sdelay $0x3  }
0x1d: {  	p0 =	seq.s32 s29, $0x0  }
.Ltmp3:
0x1e: {  	_ = 	snop;
	(pc) =	sbr.rel @p0 .LBB2_3-.Ltmp3, $1  }
0x1f: {  	_ =	sdelay $0x3  }
0x20: {  	_ =	swait.ge [sflag:s6], $0x2000  }
0x21: {  	[sflag:s6] =	ssyncset.done $0x0  }
0x22: {  	[sflag:s6] =	ssyncadd.s32 $0xFFFFE000;
	(ifvalue) =	ssetifvalue $0xFFFFFFFF;
	v3 =	vld.msk [tilespmem:s15+$0x0 ss:$0x1], $0xffff;
	_ =	sdelay $0x4  }
0x23: {  	v4 =	vperm.xlane v3, v1  }
0x24: {  	vm4 =	vlt.u32 v3, $0x1000000  }
0x25: {  	v3 =	vnsel vm4, $0xFFFFFFFE, v3;
	vm4 =	vlt.u32 v4, $0x1000000  }
0x26: {  	[tilespmem:$0x70] =	vst v3;
	v3 =	vnsel vm4, $0xFFFFFFFE, v4  }
0x27: {  	s17 =	simm.s32 $0x20F0;
	[tilespmem:$0x80] =	vst v3  }
0x28: {  	v3 =	vld.msk [tilespmem:s17+$0x0 ss:$0x1], $0xffff;
	_ =	sdelay $0x4  }
0x29: {  	(xrf1) =	vunique.msk.u32 $0xffff, v3;
	_ =	sdelay $0xd  }
0x2a: {  	v4 =	vimm.s32 $0xFFFFFFFF;
	v5, _, _ =	vpop (xrf1)  }
0x2b: {  	vm5 =	vne.s32 v3, v4;
	vm4 =	veq.s32 v5, v2  }
0x2c: {  	vm6 =	vlt.u32 v3, $0x1000000;
	vm4 =	vmand vm5, vm4  }
0x2d: {  	vm4 =	vmand vm6, vm4  }
0x2e: {  	v4 =	vnsel vm4, $0xFFFFFFFF, v3;
	_ =	sdelay $0x3  }
0x2f: {  	s0 =	simm.s32 $0x80F0;
	(ifvalue) =	ssetifvalue $0xFFFFFFFF  }
0x30: {  	v3 =	vperm.xlane v3, v1;
	[tilespmem:s0], [sflag:$0x8] =	stream.indirect_vreg.gather [hbm4b:s1+s14], $0x1, v4, vm0, $0x4038;
	v4 =	vnsel vm6, $0xFFFFFFFE, v4;
	[tilespmem:$0x12120] =	vst v63  }
0x31: {  	s2 =	simm.s32 $0x0;
	s16 =	simm.s32 $0x20E0;
	[tilespmem:s17+$0x0] =	vst v4  }
.LBB2_6:
0x32: {  	v4 =	vld.msk [tilespmem:s16+$0x0 ss:$0x1], $0xffff;
	s2 =	sadd.s32 $0x10, s2;
	v5 =	vmov v3;
	s17 =	smov.u32 s16  }
0x33: {  	p0 =	slt.u32 s2, $0x1FF0;
	_ =	sdelay $0x4  }
0x34: {  	v3 =	vperm.xlane v4, v1;
	(xrf1) =	vunique.msk.u32 $0xffff, v4;
	_ =	sdelay $0xd  }
0x35: {  	v6, _, _ =	vpop (xrf1)  }
0x36: {  	vm5 =	vne.s32 v4, v5;
	vm4 =	veq.s32 v6, v2  }
0x37: {  	vm6 =	vlt.u32 v4, $0x1000000;
	vm4 =	vmand vm5, vm4  }
0x38: {  	vm4 =	vmand vm6, vm4  }
0x39: {  	v4 =	vnsel vm4, $0xFFFFFFFF, v4  }
.Ltmp4:
0x3a: {  	v5 =	vnsel vm6, $0xFFFFFFFE, v4;
	(pc) =	sbr.rel @p0 .LBB2_6-.Ltmp4, $3  }
0x3b: {  	_ =	sdelay $0x1  }
0x3c: {  	s16 =	sadd.s32 $0xFFFFFFF0, s16;
	s0 =	sadd.s32 $0xFFFFFFF0, s0;
	(ifvalue) =	ssetifvalue $0xFFFFFFFF  }
0x3d: {  	[tilespmem:s0], [sflag:$0x8] =	stream.indirect_vreg.gather [hbm4b:s1+s14], $0x1, v4, vm0, $0x4038;
	[tilespmem:s17+$0x0] =	vst v5  }
.Ltmp5:
0x3e: {  	(pc) =	sbr.rel .LBB2_4-.Ltmp5, $4  }
0x3f: {  	_ = 	snop  }
0x40: {  	s0 =	sshrl.u32 s30, $0x3  }
0x41: {  	s2 =	simm.s32 $0xA100;
	s0 =	sadd.s32 s5, s0  }
0x42: {  	[tilespmem:s2], [sflag:$0x8] =	stream.linear.gather [hbm:s0], $0x2000, $0x38;
	[tilespmem:$0x12120] =	vst v63  }
.LBB2_11:
0x43: {  	p0 =	seq.s32 s29, $0x2  }
.Ltmp6:
0x44: {  	_ = 	snop;
	(pc) =	sbr.rel @!p0 .LBB2_12-.Ltmp6, $1  }
0x45: {  	_ =	sdelay $0x3  }
0x46: {  	_ =	swait.ge [sflag:s7], $0x4000  }
0x47: {  	[sflag:s7] =	ssyncset.done $0x0  }
0x48: {  	s0 =	simm.s32 $0x20FF;
	[sflag:s7] =	ssyncadd.s32 $0xFFFFC000  }
0x49: {  	[spmem:s11] =	stream.linear.scatter [tilespmem:s0], [sflag:$0x1], $0x1, $0x38;
	[tilespmem:$0x12120] =	vst v63  }
0x4a: {  	_ =	swait.ge [sflag:s4], $0x1  }
0x4b: {  	[sflag:s4] =	ssyncset.done $0x0  }
0x4c: {  	[sflag:s4] =	ssyncadd.s32 $0xFFFFFFFF  }
0x4d: {  	v4 =	vld [tilespmem:$0x10]  }
0x4e: {  	v5 =	vld [tilespmem:$0x70]  }
0x4f: {  	v3 =	vld [tilespmem:$0x80];
	_ =	sdelay $0x2  }
0x50: {  	(v2sf) =	vpush v4, $0x0  }
0x51: {  	(v2sf) =	vpush v5, $0x0  }
0x52: {  	(v2sf) =	vpush v3, $0x0;
	_ =	sdelay $0xc  }
0x53: {  	s16 =	spop (v2sf)  }
0x54: {  	s2 =	spop (v2sf)  }
0x55: {  	s30 =	spop (v2sf)  }
0x56: {  	p0 =	seq.s32 s16, s2;
	p1 =	seq.s32 s30, s16  }
0x57: {  	p1 =	por p0, p1  }
0x58: {  	v4 =	vpsel p1, $0xFFFFFFFF, v4  }
0x59: {  	[tilespmem:s18+$0x0] =	vst.msk $0x1, v4  }
0x5a: {  	v4 =	vld [tilespmem:$0x30]  }
0x5b: {  	v5 =	vld [tilespmem:$0xA100]  }
0x5c: {  	v6 =	vld [tilespmem:$0x40];
	_ =	sdelay $0x3  }
0x5d: {  	vm4 =	vmmov vm1;
	v5 =	vadd.f32 v5, v4  }
0x5e: {  	vm5 =	vmmov vm2;
	s31 =	simm.s32 $0xA100;
	vm4 =	vmmov @p0 vm2;
	v4 =	vadd.f32 v6, v4  }
0x5f: {  	vm5 =	vmmov @p1 vm1;
	[tilespmem:s31+$0x0] =	vst.msk vm4, v5  }
0x60: {  	[tilespmem:s19+$0x0] =	vst.msk vm5, v4  }
0x61: {  	v4 =	vld [tilespmem:$0x80F0];
	_ =	sdelay $0x3  }
0x62: {  	v5 =	vimm.f32 $0.0e+00  }
0x63: {  	v4 =	vshift.insert v4, v5, s20;
	_ =	sdelay $0x1  }
0x64: {  	[tilespmem:s21+$0x0] =	vst.msk $0x1, v4  }
0x65: {  	[tilespmem:s22+$0x0] =	vst.msk $0x1, v5  }
0x66: {  	v4 =	vld [tilespmem:$0x20F0];
	_ =	sdelay $0x4  }
0x67: {  	v4 =	vshift.insert v4, v1, s20;
	_ =	sdelay $0x1  }
0x68: {  	[tilespmem:s23+$0x0] =	vst.msk $0x1, v4  }
0x69: {  	s17 =	simm.s32 $0x100;
	v6 =	vld [tilespmem:s31+$0x0]  }
0x6a: {  	v7 =	vld [tilespmem:s17+$0x0];
	_ =	sdelay $0x3  }
0x6b: {  	v5 =	vadd.f32 v6, v5  }
0x6c: {  	vm4 =	vne.s32 v7, $0xFFFFFFFF  }
0x6d: {  	(xrf2) =	vadd.seg.scan.f32 vm4, v5;
	_ =	sdelay $0x3  }
0x6e: {  	s0 =	simm.s32 $0x6100;
	v5 =	vperm.xlane v4, v1  }
0x6f: {  	v6 =	vld [tilespmem:s0+$0x0]  }
0x70: {  	vm5 =	veq.s32 v7, v3;
	vm6 =	veq.s32 v7, v5  }
0x71: {  	vm7 =	vgt.u32 v7, $0xFFFFFFFD;
	vm6 =	vmor vm6, vm5  }
0x72: {  	vm6 =	vmor vm6, vm7  }
0x73: {  	v9 =	vld [tilespmem:$0xA0];
	v7 =	vsel vm6, $0xFFFFFFFF, v7  }
0x74: {  	v10 =	vld [tilespmem:$0x90];
	v6 =	vsel vm5, $0x0, v6;
	v8, _, _ =	vpop (xrf2)  }
0x75: {  	v6 =	vadd.f32 v8, v6  }
0x76: {  	s2 =	simm.s32 $0xE100  }
0x77: {  	vm4 =	vmand vm4, vm3;
	[tilespmem:s2+$0x0] =	vst v6;
	(ifvalue) =	ssetifvalue $0xFFFFFFFF  }
0x78: {  	vm6 =	veq.s32 v9, $0x1;
	[hbm4b:s1+s14] =	stream.indirect_vreg.scatter [tilespmem:s2], [sflag:$0x2], $0x1, v7, vm0, $0x4038;
	v7 =	vsel vm4, $0x0, v8;
	[tilespmem:$0x12120] =	vst v63  }
0x79: {  	s16 =	simm.s32 $0x0;
	s17 =	simm.s32 $0x110;
	vm4 =	vmor vm6, vm5;
	v6 =	vsel vm5, v8, v10;
	v7 =	vshift.insert v7, v0, s20  }
.LBB2_9:
0x7a: {  	v8 =	vld [tilespmem:s17+$0x0];
	s31 =	sadd.s32 $0x10, s31  }
0x7b: {  	s0 =	sadd.s32 $0x10, s0;
	v9 =	vld [tilespmem:s31+$0x0]  }
0x7c: {  	s16 =	sadd.s32 $0x10, s16;
	v10 =	vld [tilespmem:s0+$0x0]  }
0x7d: {  	p0 =	slt.u32 s16, $0x1FF0;
	_ =	sdelay $0x2  }
0x7e: {  	v7 =	vadd.f32 v9, v7  }
0x7f: {  	vm5 =	vne.s32 v8, $0xFFFFFFFF  }
0x80: {  	vm6 =	vmand vm5, vm3;
	(xrf2) =	vadd.seg.scan.f32 vm5, v7;
	_ =	sdelay $0x5  }
0x81: {  	vm7 =	veq.s32 v8, v5;
	vm5 =	veq.s32 v8, v3  }
0x82: {  	vm8 =	vgt.u32 v8, $0xFFFFFFFD;
	vm4 =	vmor vm4, vm5;
	vm7 =	vmor vm7, vm5  }
0x83: {  	vm7 =	vmor vm7, vm8  }
0x84: {  	v8 =	vsel vm7, $0xFFFFFFFF, v8  }
.Ltmp7:
0x85: {  	v7 =	vsel vm5, $0x0, v10;
	v9, _, _ =	vpop (xrf2);
	(pc) =	sbr.rel @p0 .LBB2_9-.Ltmp7, $4  }
0x86: {  	v6 =	vsel vm5, v9, v6;
	v10 =	vadd.f32 v9, v7;
	v7 =	vsel vm6, $0x0, v9  }
0x87: {  	s2 =	sadd.s32 $0x10, s2;
	v7 =	vshift.insert v7, v0, s20  }
0x88: {  	s17 =	sadd.s32 $0x10, s17;
	[tilespmem:s2+$0x0] =	vst v10;
	(ifvalue) =	ssetifvalue $0xFFFFFFFF  }
0x89: {  	[hbm4b:s1+s14] =	stream.indirect_vreg.scatter [tilespmem:s2], [sflag:$0x2], $0x1, v8, vm0, $0x4038;
	[tilespmem:$0x12120] =	vst v63  }
0x8a: {  	v3 =	vld [tilespmem:$0x100F0];
	_ =	sdelay $0x4  }
0x8b: {  	v3 =	vshift.insert v3, v0, s20;
	_ =	sdelay $0x1  }
0x8c: {  	[tilespmem:s24+$0x0] =	vst.msk $0x1, v3  }
0x8d: {  	v3 =	vsel vm4, $0x1, v1;
	[tilespmem:$0x90] =	vst v6  }
0x8e: {  	[tilespmem:$0xA0] =	vst v3  }
0x8f: {  	[spmem:s12] =	stream.linear.scatter [tilespmem:s25], [sflag:$0x1], $0x1, $0x38;
	[tilespmem:$0x12120] =	vst v63  }
0x90: {  	v3 =	vmctz.xlane vm4;
	_ =	swait.ge [sflag:s4], $0x1  }
0x91: {  	(v2sf) =	vpush v4, $0x0  }
0x92: {  	(v2sf) =	vpush v3, $0x0;
	_ =	sdelay $0xd  }
0x93: {  	s0 =	spop (v2sf)  }
0x94: {  	s2 =	spop (v2sf)  }
0x95: {  	[sflag:s4] =	ssyncset.done $0x0;
	p0 =	sne.s32 s30, s0;
	p1 =	slt.s32 s2, $0xF  }
0x96: {  	[sflag:s4] =	ssyncadd.s32 $0xFFFFFFFF;
	v3 =	vimm.s32 @!p0 $0xFFFFFFFF;
	s2 =	simm.s32 @!p1 $0xF  }
0x97: {  	[tilespmem:$0x80] =	vst @!p0 v3;
	s31 =	sadd.s32 $0x90, s2  }
0x98: {  	[spmem:s10] =	stream.linear.scatter [tilespmem:s31], [sflag:$0x1], $0x1, $0x38;
	[tilespmem:$0x12120] =	vst v63  }
0x99: {  	_ =	swait.ge [sflag:s4], $0x1  }
0x9a: {  	[sflag:s4] =	ssyncset.done $0x0  }
0x9b: {  	[sflag:s4] =	ssyncadd.s32 $0xFFFFFFFF  }
0x9c: {  	[spmem:s13] =	stream.linear.scatter [tilespmem:s26], [sflag:$0x1], $0x1, $0x38;
	[tilespmem:$0x12120] =	vst v63  }
0x9d: {  	_ =	swait.ge [sflag:s4], $0x1  }
0x9e: {  	[sflag:s4] =	ssyncset.done $0x0  }
0x9f: {  	[sflag:s4] =	ssyncadd.s32 $0xFFFFFFFF;
	(ifvalue) =	ssetifvalue $0xFFFFFFFF;
	v3 =	vld [tilespmem:$0x10];
	_ =	sdelay $0x3  }
.Ltmp8:
0xa0: {  	_ = 	snop;
	(pc) =	sbr.rel .LBB2_4-.Ltmp8, $3  }
0xa1: {  	_ =	sdelay $0x1  }
0xa2: {  	(ifvalue) =	ssetifvalue $0xFFFFFFFF  }
0xa3: {  	[hbm4b:s1+s14] =	stream.indirect_vreg.scatter [tilespmem:s19], [sflag:$0x9], $0x1, v3, vm0, $0x4038;
	[tilespmem:$0x12120] =	vst v63  }
.LBB2_12:
0xa4: {  	s0 =	simm.s32 $0x2  }
0xa5: {  	_ =	swait.ge [sflag:s0], $0x2000  }
0xa6: {  	[sflag:s0] =	ssyncset.done $0x0  }
0xa7: {  	s31 =	simm.s32 $0x9;
	[sflag:s0] =	ssyncadd.s32 $0xFFFFE000  }
0xa8: {  	_ =	swait.ge [sflag:s31], $0x10  }
0xa9: {  	[sflag:s31] =	ssyncset.done $0x0  }
0xaa: {  	[sflag:s31] =	ssyncadd.s32 $0xFFFFFFF0  }
.LBB2_13:
0xab: {  	_ =	sfence.sel $0x180000  }
0xac: {  	s0 =	simm.s32 $0x7;
	[bflag:$0x0] =	sbarrier.arrive $0xFFFF  }
0xad: {  	s26 =	simm.s32 $0x8;
	[sflag:s0] =	ssyncpa.u1 $0x1  }
0xae: {  	s28 =	simm.s32 $0x9;
	[sflag:s26] =	ssyncpa.u1 $0x1  }
0xaf: {  	[sflag:s28] =	ssyncpa.u1 $0x1  }
0xb0: {  	_ =	sfence.stream.spmem  }
0xb1: {  	s29 =	simm.s32 $0x3;
	[bflag:$0x0] =	sbarrier.arrive $0xFFFF  }
0xb2: {  	s30 =	simm.s32 $0x4;
	[sflag:s29] =	ssyncpa.u1 $0x1  }
0xb3: {  	s31 =	simm.s32 $0x3C;
	s2 =	stileid.u32;
	[sflag:s30] =	ssyncpa.u1 $0x1  }
0xb4: {  	p0 =	sne.s32 s2, $0x0;
	[sflag:s31] =	ssyncpa.u1 $0x1  }
0xb5: {  	s0 =	simm.s32 @p0 $0x1;
	_ =	sfence @p0  }
0xb6: {  	[sflag:s0] =	ssyncpa.u1 @p0 $0x1;
	s0 =	simm.s32 @p0 $0x2  }
0xb7: {  	[sflag:s0] =	ssyncpa.u1 @p0 $0x1  }
0xb8: {  	_ =	strace @p0 $0x9000004D  }
0xb9: {  	[bflag:$0x2] =	sbarrier.arrive @p0 $0xFFFF  }
0xba: {  	_ =	shalt @p0  }
.LBB2_14:
0xbb: {  	_ =	sfence.stream.spmem;
	s0 =	simm.s32 $0x5  }
0xbc: {  	s2 =	simm.s32 $0x80;
	s3 =	simm.s32 $0xC0;
	[sflag:s0] =	ssyncpa.u1 $0x0  }
0xbd: {  	[tilespmem:s3], [sflag:$0x5] =	stream.linear.gather [spmem:s2], $0x20, $0x38;
	[tilespmem:$0x12120] =	vst v63  }
0xbe: {  	s2 =	simm.s32 $0x0;
	s3 =	simm.s32 $0xE0  }
0xbf: {  	[tilespmem:s3], [sflag:$0x5] =	stream.linear.gather [spmem:s2], $0x20, $0x38;
	[tilespmem:$0x12120] =	vst v63  }
.Ltmp9:
0xc0: {  	_ = 	snop;
	(pc) =	sbr.rel .LBB2_15-.Ltmp9, $4  }
0xc1: {  	_ =	swait.ge [sflag:s0], $0x40  }
0xc2: {  	[sflag:s0] =	ssyncset.done $0x0  }
0xc3: {  	s31 =	simm.s32 $0x6;
	[sflag:s0] =	ssyncadd.s32 $0xFFFFFFC0  }
0xc4: {  	s4 =	simm.s32 $0x0;
	[sflag:s31] =	ssyncpa.u1 $0x0  }
.LBB2_20:
0xc5: {  	p0 =	sgt.u32 s0, $0xFFFFFF  }
0xc6: {  	s5 =	sshrl.u32 @!p0 s0, $0x3  }
0xc7: {  	s0 =	sand.u32 @!p0 $0x7, s0;
	s6 =	simm.s32 @!p0 $0xB0;
	s5 =	sadd.s32 @!p0 s1, s5  }
0xc8: {  	[tilespmem:s6], [sflag:$0x6] =	stream.linear.gather @!p0 [hbm4b:s5+s0], $0x1, $0x38;
	[tilespmem:$0x12120] =	vst v63  }
0xc9: {  	s0 =	simm.s32 @!p0 $0x6  }
0xca: {  	_ =	swait.ge @!p0 [sflag:s0], $0x1  }
0xcb: {  	[sflag:s0] =	ssyncset.done @!p0 $0x0  }
0xcc: {  	[sflag:s0] =	ssyncadd.s32 @!p0 $0xFFFFFFFF  }
0xcd: {  	v2 =	vmov @!p0 s4;
	v1 =	vld.msk @!p0 [tilespmem:$0xB0], $0x1;
	_ =	sdelay $0x3  }
0xce: {  	s0 =	simm.s32 @!p0 $0xE0  }
0xcf: {  	[tilespmem:v2+s0+$0x0], v1 =	vst.idx.ret.add.f32.msk @!p0 $0x1, v1  }
0xd0: {  	[tilespmem:s2+$0xC0] =	vst.msk $0x1, v0  }
0xd1: {  	v0 =	vld.msk [tilespmem:s4+$0xE0], $0x1;
	_ =	sdelay $0x4  }
0xd2: {  	[tilespmem:s2+$0xE0] =	vst.msk $0x1, v0;
	s2 =	sadd.s32 $0x1, s2  }
.LBB2_22:
0xd3: {  	s4 =	sadd.s32 $0x1, s4  }
0xd4: {  	p0 =	sne.s32 s4, $0x20  }
.Ltmp10:
0xd5: {  	_ = 	snop;
	(pc) =	sbr.rel @!p0 .LBB2_23-.Ltmp10, $1  }
0xd6: {  	_ =	sdelay $0x3  }
.LBB2_15:
0xd7: {  	v0 =	vld.msk [tilespmem:s4+$0xC0], $0x1;
	_ =	sdelay $0x4  }
0xd8: {  	(v2sf) =	vpush v0, $0x0;
	_ =	sdelay $0xe  }
0xd9: {  	s0 =	spop (v2sf)  }
0xda: {  	p0 =	seq.s32 s0, $0xFFFFFFFF  }
.Ltmp11:
0xdb: {  	_ = 	snop;
	(pc) =	sbr.rel @p0 .LBB2_22-.Ltmp11, $1  }
0xdc: {  	_ =	sdelay $0x3  }
0xdd: {  	p0 =	slt.s32 s2, $0x1  }
.Ltmp12:
0xde: {  	_ = 	snop;
	(pc) =	sbr.rel @p0 .LBB2_20-.Ltmp12, $1  }
0xdf: {  	_ =	sdelay $0x3  }
0xe0: {  	s5 =	simm.s32 $0xC0;
	p0 =	por $0x0, $0x0  }
0xe1: {  	v1 =	vld.msk @!p0 [tilespmem:s5+$0x0], $0x1;
	_ =	sdelay $0x4  }
0xe2: {  	(v2sf) =	vpush @!p0 v1, $0x0;
	_ =	sdelay $0xd  }
0xe3: {  	p2 =	sne.s32 s2, $0x1  }
.Ltmp13:
0xe4: {  	s6 =	spop @!p0 (v2sf);
	(pc) =	sbr.rel @!p2 .LBB2_19-.Ltmp13, $4  }
0xe5: {  	p1 =	seq.s32 @!p0 s0, s6  }
0xe6: {  	s6 =	simm.s32 $0x0;
	p1 =	por !p1, p0  }
0xe7: {  	s8 =	simm.s32 $0xFFFFFFFF;
	s6 =	simm.s32 @p1 $0xFFFFFFFF  }
0xe8: {  	s7 =	simm.s32 $0x1;
	s6 =	smov.u32 @p0 s8  }
.LBB2_18:
0xe9: {  	s8 =	smov.u32 s6;
	p0 =	sne.s32 s6, $0xFFFFFFFF  }
0xea: {  	s5 =	sadd.s32 $0x1, s5;
	s6 =	smov.u32 s7;
	s7 =	sadd.s32 $0x1, s7  }
0xeb: {  	p1 =	sne.s32 s2, s7;
	v1 =	vld.msk @!p0 [tilespmem:s5+$0x0], $0x1;
	_ =	sdelay $0x4  }
0xec: {  	(v2sf) =	vpush @!p0 v1, $0x0;
	_ =	sdelay $0xe  }
.Ltmp14:
0xed: {  	s9 =	spop @!p0 (v2sf);
	(pc) =	sbr.rel @p1 .LBB2_18-.Ltmp14, $4  }
0xee: {  	p2 =	seq.s32 @!p0 s0, s9  }
0xef: {  	p2 =	por !p2, p0  }
0xf0: {  	s6 =	simm.s32 @p2 $0xFFFFFFFF  }
0xf1: {  	s6 =	smov.u32 @p0 s8  }
.LBB2_19:
0xf2: {  	p0 =	sne.s32 s6, $0xFFFFFFFF  }
.Ltmp15:
0xf3: {  	_ = 	snop;
	(pc) =	sbr.rel @!p0 .LBB2_20-.Ltmp15, $1  }
0xf4: {  	_ =	sdelay $0x3  }
0xf5: {  	v0 =	vld.msk [tilespmem:s4+$0xE0], $0x1;
	v1 =	vmov s6  }
.Ltmp16:
0xf6: {  	_ = 	snop;
	(pc) =	sbr.rel .LBB2_22-.Ltmp16, $2  }
0xf7: {  	_ =	sdelay $0x2  }
0xf8: {  	[tilespmem:v1+s3+$0x0], v0 =	vst.idx.ret.add.f32.msk $0x1, v0  }
.LBB2_23:
0xf9: {  	p0 =	slt.s32 s2, $0x1  }
.Ltmp17:
0xfa: {  	_ = 	snop;
	(pc) =	sbr.rel @p0 .LBB2_27-.Ltmp17, $3  }
0xfb: {  	_ =	sdelay $0x1  }
0xfc: {  	s0 =	simm.s32 $0x6  }
0xfd: {  	[sflag:s0] =	ssyncpa.u1 $0x1;
	s0 =	simm.s32 $0x0  }
0xfe: {  	s3 =	simm.s32 $0xC0  }
0xff: {  	v0 =	vld.msk [tilespmem:s3+$0x0], $0x1;
	_ =	sdelay $0x4  }
0x100: {  	(v2sf) =	vpush v0, $0x0;
	_ =	sdelay $0xe  }
0x101: {  	s2 =	sadd.s32 $0xFFFFFFFF, s2;
	s4 =	spop (v2sf)  }
0x102: {  	p1 =	sne.s32 s2, $0x0;
	p0 =	sgt.u32 s4, $0xFFFFFF  }
.Ltmp18:
0x103: {  	s5 =	sshrl.u32 @!p0 s4, $0x3;
	(pc) =	sbr.rel @!p1 .LBB2_26-.Ltmp18, $4  }
0x104: {  	s3 =	simm.s32 $0xE0;
	s4 =	sand.u32 @!p0 $0x7, s4;
	s5 =	sadd.s32 @!p0 s1, s5  }
0x105: {  	[hbm4b:s5+s4] =	stream.linear.scatter @!p0 [tilespmem:s3], [sflag:$0x5], $0x1, $0x38;
	[tilespmem:$0x12120] =	vst v63  }
0x106: {  	s5 =	simm.s32 $0x0  }
0x107: {  	s4 =	simm.s32 $0xC1;
	s5 =	simm.s32 @!p0 $0x4  }
.LBB2_25:
0x108: {  	v0 =	vld.msk [tilespmem:s4+$0x0], $0x1;
	s2 =	sadd.s32 $0xFFFFFFFF, s2;
	s0 =	sadd.s32 s0, s5  }
0x109: {  	p0 =	sne.s32 s2, $0x0;
	_ =	sdelay $0x3  }
0x10a: {  	(v2sf) =	vpush v0, $0x0;
	_ =	sdelay $0xe  }
.Ltmp19:
0x10b: {  	s6 =	spop (v2sf);
	(pc) =	sbr.rel @p0 .LBB2_25-.Ltmp19, $4  }
0x10c: {  	s5 =	simm.s32 $0x0;
	p1 =	sgt.u32 s6, $0xFFFFFF  }
0x10d: {  	s3 =	sadd.s32 $0x1, s3;
	s5 =	simm.s32 @!p1 $0x4;
	s7 =	sshrl.u32 @!p1 s6, $0x3  }
0x10e: {  	s4 =	sadd.s32 $0x1, s4;
	s6 =	sand.u32 @!p1 $0x7, s6;
	s7 =	sadd.s32 @!p1 s1, s7  }
0x10f: {  	[hbm4b:s7+s6] =	stream.linear.scatter @!p1 [tilespmem:s3], [sflag:$0x5], $0x1, $0x38;
	[tilespmem:$0x12120] =	vst v63  }
.LBB2_26:
0x110: {  	s0 =	sadd.s32 s0, s5  }
0x111: {  	s0 =	sshrl.u32 s0, $0x2  }
.LBB2_27:
0x112: {  	s1 =	simm.s32 $0x5  }
0x113: {  	_ =	swait.ge [sflag:s1], s0  }
0x114: {  	s28 =	ssub.s32 $0x0, s0;
	[sflag:s1] =	ssyncset.done $0x0  }
0x115: {  	[sflag:s1] =	ssyncadd.s32 s28  }
0x116: {  	[sflag:s1] =	ssyncpa.u1 $0x1  }
0x117: {  	s29 =	simm.s32 $0x1;
	_ =	sfence  }
0x118: {  	s30 =	simm.s32 $0x2;
	[sflag:s29] =	ssyncpa.u1 $0x1  }
0x119: {  	[sflag:s30] =	ssyncpa.u1 $0x1  }
0x11a: {  	_ =	strace $0x9000004D  }
0x11b: {  	[bflag:$0x2] =	sbarrier.arrive $0xFFFF  }
0x11c: {  	s31 =	rddreg [dreg:$0x1]  }
0x11d: {  	s0 =	sadd.s32 $0x100000, s31  }
0x11e: {  	[sflag:s0] =	ssyncadd.tile.s32 $0x1;
	_ =	shalt  }
.Lfunc_end2:
_tile_overlayer_lowered:
.L_overlay_start_2:
0x11f: {  	(tag) =	ssettag $0x2  }
0x120: {  	s0 =	rddreg [dreg:$0x0];
	s2 =	stileid.u32  }
0x121: {  	s1 =	rddreg [dreg:$0x1];
	p0 =	sne.s32 s2, $0x0  }
0x122: {  	s3 =	rddreg [dreg:$0x2];
	[bflag:$0x3] =	sbarrier.arrive $0xFFFF;
	s2 =	simm.s32 @!p0 $0x1C01  }
0x123: {  	[timem:s3], [sflag:s2] =	dma.local @!p0 [hbm:s0], s1  }
0x124: {  	s0 =	simm.s32 @!p0 $0x1  }
0x125: {  	_ =	swait.ge @!p0 [sflag:s0], s1  }
0x126: {  	s1 =	ssub.s32 @!p0 $0x0, s1;
	[sflag:s0] =	ssyncset.done @!p0 $0x0  }
0x127: {  	[sflag:s0] =	ssyncadd.s32 @!p0 s1  }
0x128: {  	[bflag:$0x3] =	sbarrier.arrive $0xFFFF  }
0x129: {  	_ =	shalt  }

// kernel: scatter_offload_async_start
scs
__scs_entry_jumppad:
0x0: {  	(pc) =	sbr.rel $0x88, $3  }
0x1: {  	(tag) =	ssettag $0x0;
	lr =	simm.s32 $0x1  }
0x2: {  	[smem:$0x3F96] =	sst lr;
	_ =	strace $0xD0000000  }
0x3: {  	_ = 	snop  }
0x4: {  	_ = 	snop  }
0x5: {  	_ = 	snop  }
0x6: {  	_ = 	snop  }
0x7: {  	_ = 	snop  }
__scs_overlays_trampoline_lowered:
0x8: {  	[smem:$0x3FA5] =	sst s0  }
0x9: {  	[smem:$0x3FA6] =	sst s1  }
0xa: {  	[smem:$0x3FA7] =	sst s2  }
0xb: {  	[smem:$0x3FA8] =	sst s3  }
0xc: {  	[smem:$0x3FA9] =	sst s4  }
0xd: {  	[smem:$0x3FAA] =	sst s5  }
0xe: {  	[smem:$0x3FAB] =	sst s6  }
0xf: {  	[smem:$0x3FAC] =	sst s7  }
0x10: {  	[smem:$0x3FAD] =	sst s8  }
0x11: {  	[smem:$0x3FAE] =	sst s9;
	s0 =	simm.s32 @!p0 $0x0  }
0x12: {  	s1 =	sld [smem:$0x3F94];
	s0 =	simm.s32 @p0 $0x1  }
0x13: {  	[smem:$0x3FAF] =	sst s0;
	s0 =	simm.s32 @!p1 $0x0  }
0x14: {  	s2 =	sld [smem:$0x3F93];
	s0 =	simm.s32 @p1 $0x1  }
0x15: {  	[smem:$0x3FB0] =	sst s0;
	s0 =	simm.s32 @!p2 $0x0  }
0x16: {  	s3 =	sld [smem:$0x3FDB];
	s0 =	simm.s32 @p2 $0x1  }
0x17: {  	s4 =	simm.s32 $0x1BF5;
	[smem:$0x3FB2] =	sst s0  }
0x18: {  	s0 =	sld [smem:$0x3F95];
	_ =	swait.ge [sflag:s4], $0x0  }
0x19: {  	s7 =	sld [smem:$0x3F96]  }
0x1a: {  	s8 =	sadd.s32 $0xFFFFE003, lr  }
0x1b: {  	s9 =	sadd.s32 $0xFFFFFEF7, lr;
	s5 =	simm.s32 $0xFFFFFFFF;
	p2 =	slt.u32 s8, $0xFFFFF086  }
0x1c: {  	p1 =	slt.u32 s9, $0xF7A;
	s5 =	simm.s32 @!p2 $0x0  }
0x1d: {  	s5 =	simm.s32 @p1 $0x1;
	p0 =	seq.s32 s7, s2  }
0x1e: {  	s7 =	smul.u32 @!p0 $0xF7A, s2;
	p2 =	seq.s32 @!p0 s5, $0x0  }
0x1f: {  	s9 =	smul.u32 $0xF7A, s1;
	s8 =	simm.s32 @!p0 $0x1BF5;
	p2 =	por !p2, p0  }
0x20: {  	[sflag:s8] =	ssyncset.s32 @!p0 $0xFFFFF086;
	s6 =	sadd.s32 @!p0 s3, s7;
	s7 =	simm.s32 @!p0 $0x108  }
0x21: {  	s3 =	sadd.s32 s3, s9;
	s6 =	sadd.s32 @!p0 $0x88, s6;
	s7 =	simm.s32 @p2 $0x1082  }
0x22: {  	[simem:s7], [sflag:s8] =	dma.local @!p0 [hbm:s6], $0xF7A  }
0x23: {  	s9 =	sor.u32 $0xD0000000, s2;
	s6 =	simm.s32 $0x108;
	_ =	swait.ge @!p0 [sflag:s8], $0x0  }
0x24: {  	s3 =	sadd.s32 $0x88, s3;
	s6 =	simm.s32 @!p1 $0x1082;
	[sflag:s4] =	ssyncset.s32 $0xFFFFF086  }
0x25: {  	[simem:s6], [sflag:s4] =	dma.local [hbm:s3], $0xF7A  }
0x26: {  	[smem:$0x3F96] =	sst s1;
	(tag) =	ssettag s2;
	_ =	strace s9  }
0x27: {  	s1 =	sld [smem:$0x3FA6]  }
0x28: {  	s2 =	sld [smem:$0x3FA7]  }
0x29: {  	s4 =	sld [smem:$0x3FA9]  }
0x2a: {  	p0 =	seq.s32 s5, $0x0;
	s5 =	sld [smem:$0x3FAA]  }
0x2b: {  	s6 =	sld [smem:$0x3FAB]  }
0x2c: {  	s7 =	sld [smem:$0x3FAC]  }
0x2d: {  	s3 =	simm.s32 $0x108;
	s8 =	sld [smem:$0x3FAD]  }
0x2e: {  	s3 =	simm.s32 @!p0 $0x1082;
	s9 =	sld [smem:$0x3FAE]  }
0x2f: {  	lr =	sadd.s32 s0, s3;
	s0 =	sld [smem:$0x3FA5]  }
0x30: {  	s3 =	sld [smem:$0x3FA8]  }
0x31: {  	[smem:$0x3FB1] =	sst s10  }
0x32: {  	s10 =	sld [smem:$0x3FAF];
	_ =	sdelay $0x3  }
0x33: {  	p0 =	seq.s32 s10, $0x1;
	s10 =	sld [smem:$0x3FB1];
	_ =	sdelay $0x3  }
0x34: {  	[smem:$0x3FB1] =	sst s10  }
0x35: {  	s10 =	sld [smem:$0x3FB0];
	_ =	sdelay $0x3  }
0x36: {  	p1 =	seq.s32 s10, $0x1;
	s10 =	sld [smem:$0x3FB1];
	_ =	sdelay $0x3  }
0x37: {  	[smem:$0x3FB1] =	sst s10  }
0x38: {  	s10 =	sld [smem:$0x3FB2]  }
0x39: {  	_ = 	snop;
	(pc) =	sbr.ind lr, $3  }
0x3a: {  	_ = 	snop  }
0x3b: {  	_ = 	snop  }
0x3c: {  	p2 =	seq.s32 s10, $0x1;
	s10 =	sld [smem:$0x3FB1]  }
0x3d: {  	_ =	shalt  }
0x3e: {  	_ =	shalt  }
0x3f: {  	_ =	shalt  }
0x40: {  	_ =	shalt  }
0x41: {  	_ =	shalt  }
0x42: {  	_ =	shalt  }
0x43: {  	_ =	shalt  }
0x44: {  	_ =	shalt  }
0x45: {  	_ =	shalt  }
0x46: {  	_ =	shalt  }
0x47: {  	_ =	shalt  }
0x48: {  	_ =	shalt  }
0x49: {  	_ =	shalt  }
0x4a: {  	_ =	shalt  }
0x4b: {  	_ =	shalt  }
0x4c: {  	_ =	shalt  }
0x4d: {  	_ =	shalt  }
0x4e: {  	_ =	shalt  }
0x4f: {  	_ =	shalt  }
0x50: {  	_ =	shalt  }
0x51: {  	_ =	shalt  }
0x52: {  	_ =	shalt  }
0x53: {  	_ =	shalt  }
0x54: {  	_ =	shalt  }
0x55: {  	_ =	shalt  }
0x56: {  	_ =	shalt  }
0x57: {  	_ =	shalt  }
0x58: {  	_ =	shalt  }
0x59: {  	_ =	shalt  }
0x5a: {  	_ =	shalt  }
0x5b: {  	_ =	shalt  }
0x5c: {  	_ =	shalt  }
0x5d: {  	_ =	shalt  }
0x5e: {  	_ =	shalt  }
0x5f: {  	_ =	shalt  }
0x60: {  	_ =	shalt  }
0x61: {  	_ =	shalt  }
0x62: {  	_ =	shalt  }
0x63: {  	_ =	shalt  }
0x64: {  	_ =	shalt  }
0x65: {  	_ =	shalt  }
0x66: {  	_ =	shalt  }
0x67: {  	_ =	shalt  }
0x68: {  	_ =	shalt  }
0x69: {  	_ =	shalt  }
0x6a: {  	_ =	shalt  }
0x6b: {  	_ =	shalt  }
0x6c: {  	_ =	shalt  }
0x6d: {  	_ =	shalt  }
0x6e: {  	_ =	shalt  }
0x6f: {  	_ =	shalt  }
0x70: {  	_ =	shalt  }
0x71: {  	_ =	shalt  }
0x72: {  	_ =	shalt  }
0x73: {  	_ =	shalt  }
0x74: {  	_ =	shalt  }
0x75: {  	_ =	shalt  }
0x76: {  	_ =	shalt  }
0x77: {  	_ =	shalt  }
0x78: {  	_ =	shalt  }
0x79: {  	_ =	shalt  }
0x7a: {  	_ =	shalt  }
0x7b: {  	_ =	shalt  }
0x7c: {  	_ =	shalt  }
0x7d: {  	_ =	shalt  }
0x7e: {  	_ =	shalt  }
0x7f: {  	_ =	shalt  }
0x80: {  	_ =	shalt  }
0x81: {  	_ =	shalt  }
0x82: {  	_ =	shalt  }
0x83: {  	_ =	shalt  }
0x84: {  	_ =	shalt  }
0x85: {  	_ =	shalt  }
0x86: {  	_ =	shalt  }
0x87: {  	_ =	shalt  }
.Lfunc_end0:
.L_simem_size_0:
called_computation_lowered:
.L_overlay_start_0:
0x88: {  	s0 =	sld [smem:$0x3FD9]  }
0x89: {  	s1 =	sld [smem:$0x3FFE];
	_ =	sdelay $0x3  }
0x8a: {  	s0 =	sadd.s32 s1, s0  }
0x8b: {  	[smem:$0x3FBD] =	sst s0  }
0x8c: {  	_ = 	snop  }
0x8d: {  	(tm) =	ssettm $0x1  }
0x8e: {  	s15 =	sld [smem:$0x3FFB];
	_ =	sdelay $0x3  }
0x8f: {  	_ =	strace s15  }
0x90: {  	s0 =	sld [smem:$0x3FFC];
	_ =	sdelay $0x3  }
0x91: {  	_ =	strace s0  }
0x92: {  	s0 =	sld [smem:$0x3FFD];
	_ =	sdelay $0x3  }
0x93: {  	_ =	strace s0  }
0x94: {  	_ =	strace $0x8FFFFFFF  }
0x95: {  	s16 =	sld [smem:$0x3FDB];
	_ =	sdelay $0x1  }
0x96: {  	s17 =	simm.s32 $_scs_section_size  }
0x97: {  	s2 =	simm.s32 $_size__tile_overlayer_lowered;
	s3 =	simm.s32 $_tile_overlayer_lowered  }
0x98: {  	s20 =	simm.s32 $0x1BFF;
	s19 =	sshll.u32 s3, $0x1;
	s0 =	sadd.s32 s17, s16  }
0x99: {  	s4 =	simm.s32 $0x0;
	s18 =	sshll.u32 s2, $0x1;
	s2 =	sadd.s32 s19, s0  }
0x9a: {  	[timem:s4], [sflag:s20] =	dma.local [hbm:s2], s18  }
0x9b: {  	_ =	swait.ge [sflag:s20], s18  }
0x9c: {  	s1 =	ssub.s32 $0x0, s18;
	[sflag:s20] =	ssyncset.done $0x0  }
0x9d: {  	[sflag:s20] =	ssyncadd.s32 s1;
	_ =	sdelay $0x1  }
0x9e: {  	s21 =	simm.s32 $0x1B8B  }
0x9f: {  	_ =	swait.ge [sflag:s21], $0x1  }
0xa0: {  	[sflag:s21] =	ssyncset.done $0x0  }
0xa1: {  	s23 =	simm.s32 $0x1B8E;
	s22 =	sld [smem:$0x3FFE];
	[sflag:s21] =	ssyncadd.s32 $0xFFFFFFFF  }
0xa2: {  	s24 =	simm.s32 $execute0_lowered;
	[smem:$0x3FD2] =	sst s23  }
0xa3: {  	s2 =	sshll.u32 s24, $0x1;
	_ =	strace $0x80000049;
	[dreg:$0x1] =	wrdreg $0xFFFFFFFF  }
0xa4: {  	s25 =	simm.s32 $_size_execute0_lowered;
	s0 =	sadd.s32 s0, s2;
	[dreg:$0x0] =	wrdreg $0x0  }
0xa5: {  	s2 =	sshll.u32 s25, $0x1;
	[dreg:$0x2] =	wrdreg s0  }
0xa6: {  	[dreg:$0x3] =	wrdreg s2  }
0xa7: {  	[dreg:$0x4] =	wrdreg $0xC0  }
0xa8: {  	_ =	task [dreg:s4], $0x5FFFF  }
0xa9: {  	[dreg:$0x1] =	wrdreg $0xFFFFFFFF  }
0xaa: {  	[dreg:$0x0] =	wrdreg $0x60  }
0xab: {  	[dreg:$0x2] =	wrdreg s22  }
0xac: {  	[dreg:$0x3] =	wrdreg $0x9  }
0xad: {  	_ =	task.clear_ibuf [dreg:s4], $0x4FFFF;
	_ =	strace $0x90000049  }
0xae: {  	s26 =	simm.s32 $0x9;
	_ =	strace $0x8000004B  }
0xaf: {  	_ =	swait.ge [sflag:s26], $0x1  }
0xb0: {  	[sflag:s26] =	ssyncadd.s32 $0xFFFFFFFF  }
0xb1: {  	_ =	strace $0x9000004B  }
0xb2: {  	_ =	sfence  }
0xb3: {  	s28 =	sld [smem:$0x0];
	_ =	sdelay $0x1  }
0xb4: {  	s29 =	srdreg.scid  }
0xb5: {  	s30 =	sshll.u32 s29, $0xD;
	s31 =	sshrl.u32 s29, $0x2  }
0xb6: {  	s1 =	sand.u32 $0x1, s29;
	s2 =	sand.u32 $0x4000, s30;
	s0 =	sadd.s32 s31, s28  }
0xb7: {  	s1 =	sor.u32 s2, s1;
	s0 =	sshll.u32 s0, $0x11  }
0xb8: {  	s0 =	sor.u32 s0, s1  }
0xb9: {  	s0 =	sadd.s32 $0x8F2B, s0  }
0xba: {  	[sflag:s0] =	ssyncadd.remote.s32 $0x1  }
0xbb: {  	_ =	sfence.sel $0xFFFF  }
0xbc: {  	[dreg:$0x0] =	wrdreg $0xFFFFFFFF;
	(pc) =	sbr.abs _section_cstart, $3  }
0xbd: {  	[dreg:$0x1] =	wrdreg $0xFFFFFFFF  }
0xbe: {  	_ =	task.clear_ibuf [dreg:s4], $0x2FFFF;
	_ =	strace $0x9FFFFFFF  }
0xbf: {  	(tm) =	ssettm $0x7FFFFFFF  }
tec
execute0_lowered:
.L_overlay_start_1:
0x0: {  	(tag) =	ssettag $0x1  }
0x1: {  	s0 =	rddreg [dreg:$0x0];
	_ =	strace $0x8000004A;
	s3 =	simm.s32 $0x1  }
0x2: {  	v1 =	vimm.s32 $0xFFFFFFFF;
	[sflag:s3] =	ssyncpa.u1 $0x0  }
0x3: {  	[tilespmem:$0x10] =	vst v1  }
0x4: {  	v0 =	vimm.f32 $0.0e+00;
	[tilespmem:$0x20] =	vst v1  }
0x5: {  	[tilespmem:$0x30] =	vst v0  }
0x6: {  	s2 =	simm.s32 $0x2;
	s6 =	simm.s32 $0x7;
	s26 =	stileid.u32;
	[tilespmem:$0x40] =	vst v0  }
0x7: {  	s7 =	simm.s32 $0x8;
	s31 =	simm.s32 $0x9;
	s14 =	simm.s32 $0x0;
	[tilespmem:$0x50] =	vst v0  }
0x8: {  	s15 =	simm.s32 $0x100;
	s18 =	simm.s32 $0x10;
	s19 =	simm.s32 $0x12100;
	[tilespmem:$0x60] =	vst v1  }
0x9: {  	s20 =	simm.s32 $0xF;
	s21 =	simm.s32 $0x50;
	s22 =	simm.s32 $0x80FF;
	[tilespmem:$0x70] =	vst v1  }
0xa: {  	s23 =	simm.s32 $0x20;
	s24 =	simm.s32 $0x30;
	s25 =	simm.s32 $0x100FF;
	[tilespmem:$0x80] =	vst v1  }
0xb: {  	s30 =	simm.s32 $0x0;
	s29 =	simm.s32 $0x0;
	s1 =	sadd.s32 $0x10800, s0;
	v1 =	vimm.s32 $0x0;
	[tilespmem:$0xB0] =	vst v0  }
.Ltmp0:
0xc: {  	s4 =	sadd.s32 $0x4000, s0;
	s5 =	sadd.s32 $0xC800, s0;
	[tilespmem:$0x90] =	vst v1;
	(pc) =	sbr.rel .LBB2_1-.Ltmp0, $4  }
0xd: {  	s8 =	sshll.u32 s26, $0xD;
	s10 =	sshll.u32 s26, $0x1;
	[tilespmem:$0xA0] =	vst v1;
	[sflag:s2] =	ssyncpa.u1 $0x0  }
0xe: {  	s12 =	sshllo.u32 s26, $0x1;
	s26 =	simm.s32 $0x80;
	[sflag:s6] =	ssyncpa.u1 $0x0  }
0xf: {  	vm0 =	vmmov $0xffff;
	v2 =	vlaneseq.u32;
	s9 =	sadd.s32 $0x2000, s8;
	s11 =	sor.u32 $0x81, s10;
	[sflag:s7] =	ssyncpa.u1 $0x0  }
0x10: {  	vm1 =	vmxor vm1, vm1;
	vm2 =	vmmov $0x1;
	vm3 =	vcmask $0x3F3C;
	s13 =	sor.u32 $0x80, s10;
	s28 =	smov.u32 s8;
	[sflag:s31] =	ssyncpa.u1 $0x0  }
.LBB2_3:
0x11: {  	s0 =	sshrl.u32 s28, $0x3  }
0x12: {  	s2 =	sand.u32 $0x7, s28;
	s0 =	sadd.s32 s4, s0  }
0x13: {  	[tilespmem:s15], [sflag:$0x7] =	stream.linear.gather [hbm4b:s0+s2], $0x2000, $0x38;
	[tilespmem:$0x12120] =	vst v63  }
.LBB2_4:
0x14: {  	s0 =	sadd.s32 $0x2000, s28  }
0x15: {  	s2 =	smov.u32 s8;
	s29 =	sadd.s32 $0x1, s29;
	p0 =	slt.s32 s0, s9  }
0x16: {  	s2 =	smov.u32 @p0 s0;
	p0 =	sne.s32 s29, $0x4  }
.Ltmp1:
0x17: {  	_ = 	snop;
	(pc) =	sbr.rel @!p0 .LBB2_13-.Ltmp1, $2  }
0x18: {  	_ =	sdelay $0x2  }
0x19: {  	s30 =	smov.u32 s28;
	s28 =	smov.u32 s2  }
.LBB2_1:
0x1a: {  	p0 =	sgt.s32 s29, $0x1  }
.Ltmp2:
0x1b: {  	_ = 	snop;
	(pc) =	sbr.rel @p0 .LBB2_11-.Ltmp2, $1  }
0x1c: {  	_ =	sdelay $0x3  }
0x1d: {  	p0 =	seq.s32 s29, $0x0  }
.Ltmp3:
0x1e: {  	_ = 	snop;
	(pc) =	sbr.rel @p0 .LBB2_3-.Ltmp3, $1  }
0x1f: {  	_ =	sdelay $0x3  }
0x20: {  	_ =	swait.ge [sflag:s6], $0x2000  }
0x21: {  	[sflag:s6] =	ssyncset.done $0x0  }
0x22: {  	[sflag:s6] =	ssyncadd.s32 $0xFFFFE000;
	(ifvalue) =	ssetifvalue $0xFFFFFFFF;
	v3 =	vld.msk [tilespmem:s15+$0x0 ss:$0x1], $0xffff;
	_ =	sdelay $0x4  }
0x23: {  	v4 =	vperm.xlane v3, v1  }
0x24: {  	vm4 =	vlt.u32 v3, $0x1000  }
0x25: {  	v3 =	vnsel vm4, $0xFFFFFFFE, v3;
	vm4 =	vlt.u32 v4, $0x1000  }
0x26: {  	[tilespmem:$0x70] =	vst v3;
	v3 =	vnsel vm4, $0xFFFFFFFE, v4  }
0x27: {  	s17 =	simm.s32 $0x20F0;
	[tilespmem:$0x80] =	vst v3  }
0x28: {  	v3 =	vld.msk [tilespmem:s17+$0x0 ss:$0x1], $0xffff;
	_ =	sdelay $0x4  }
0x29: {  	(xrf1) =	vunique.msk.u32 $0xffff, v3;
	_ =	sdelay $0xd  }
0x2a: {  	v4 =	vimm.s32 $0xFFFFFFFF;
	v5, _, _ =	vpop (xrf1)  }
0x2b: {  	vm5 =	vne.s32 v3, v4;
	vm4 =	veq.s32 v5, v2  }
0x2c: {  	vm6 =	vlt.u32 v3, $0x1000;
	vm4 =	vmand vm5, vm4  }
0x2d: {  	vm4 =	vmand vm6, vm4  }
0x2e: {  	v4 =	vnsel vm4, $0xFFFFFFFF, v3;
	_ =	sdelay $0x3  }
0x2f: {  	s0 =	simm.s32 $0x80F0;
	(ifvalue) =	ssetifvalue $0xFFFFFFFF  }
0x30: {  	v3 =	vperm.xlane v3, v1;
	[tilespmem:s0], [sflag:$0x8] =	stream.indirect_vreg.gather [hbm4b:s1+s14], $0x1, v4, vm0, $0x4038;
	v4 =	vnsel vm6, $0xFFFFFFFE, v4;
	[tilespmem:$0x12120] =	vst v63  }
0x31: {  	s2 =	simm.s32 $0x0;
	s16 =	simm.s32 $0x20E0;
	[tilespmem:s17+$0x0] =	vst v4  }
.LBB2_6:
0x32: {  	v4 =	vld.msk [tilespmem:s16+$0x0 ss:$0x1], $0xffff;
	s2 =	sadd.s32 $0x10, s2;
	v5 =	vmov v3;
	s17 =	smov.u32 s16  }
0x33: {  	p0 =	slt.u32 s2, $0x1FF0;
	_ =	sdelay $0x4  }
0x34: {  	v3 =	vperm.xlane v4, v1;
	(xrf1) =	vunique.msk.u32 $0xffff, v4;
	_ =	sdelay $0xd  }
0x35: {  	v6, _, _ =	vpop (xrf1)  }
0x36: {  	vm5 =	vne.s32 v4, v5;
	vm4 =	veq.s32 v6, v2  }
0x37: {  	vm6 =	vlt.u32 v4, $0x1000;
	vm4 =	vmand vm5, vm4  }
0x38: {  	vm4 =	vmand vm6, vm4  }
0x39: {  	v4 =	vnsel vm4, $0xFFFFFFFF, v4  }
.Ltmp4:
0x3a: {  	v5 =	vnsel vm6, $0xFFFFFFFE, v4;
	(pc) =	sbr.rel @p0 .LBB2_6-.Ltmp4, $3  }
0x3b: {  	_ =	sdelay $0x1  }
0x3c: {  	s16 =	sadd.s32 $0xFFFFFFF0, s16;
	s0 =	sadd.s32 $0xFFFFFFF0, s0;
	(ifvalue) =	ssetifvalue $0xFFFFFFFF  }
0x3d: {  	[tilespmem:s0], [sflag:$0x8] =	stream.indirect_vreg.gather [hbm4b:s1+s14], $0x1, v4, vm0, $0x4038;
	[tilespmem:s17+$0x0] =	vst v5  }
.Ltmp5:
0x3e: {  	(pc) =	sbr.rel .LBB2_4-.Ltmp5, $4  }
0x3f: {  	_ = 	snop  }
0x40: {  	s0 =	sshrl.u32 s30, $0x3  }
0x41: {  	s2 =	simm.s32 $0xA100;
	s0 =	sadd.s32 s5, s0  }
0x42: {  	[tilespmem:s2], [sflag:$0x8] =	stream.linear.gather [hbm:s0], $0x2000, $0x38;
	[tilespmem:$0x12120] =	vst v63  }
.LBB2_11:
0x43: {  	p0 =	seq.s32 s29, $0x2  }
.Ltmp6:
0x44: {  	_ = 	snop;
	(pc) =	sbr.rel @!p0 .LBB2_12-.Ltmp6, $1  }
0x45: {  	_ =	sdelay $0x3  }
0x46: {  	_ =	swait.ge [sflag:s7], $0x4000  }
0x47: {  	[sflag:s7] =	ssyncset.done $0x0  }
0x48: {  	s0 =	simm.s32 $0x20FF;
	[sflag:s7] =	ssyncadd.s32 $0xFFFFC000  }
0x49: {  	[spmem:s11] =	stream.linear.scatter [tilespmem:s0], [sflag:$0x1], $0x1, $0x38;
	[tilespmem:$0x12120] =	vst v63  }
0x4a: {  	_ =	swait.ge [sflag:s3], $0x1  }
0x4b: {  	[sflag:s3] =	ssyncset.done $0x0  }
0x4c: {  	[sflag:s3] =	ssyncadd.s32 $0xFFFFFFFF  }
0x4d: {  	v4 =	vld [tilespmem:$0x10]  }
0x4e: {  	v5 =	vld [tilespmem:$0x70]  }
0x4f: {  	v3 =	vld [tilespmem:$0x80];
	_ =	sdelay $0x2  }
0x50: {  	(v2sf) =	vpush v4, $0x0  }
0x51: {  	(v2sf) =	vpush v5, $0x0  }
0x52: {  	(v2sf) =	vpush v3, $0x0;
	_ =	sdelay $0xc  }
0x53: {  	s16 =	spop (v2sf)  }
0x54: {  	s2 =	spop (v2sf)  }
0x55: {  	s30 =	spop (v2sf)  }
0x56: {  	p0 =	seq.s32 s16, s2;
	p1 =	seq.s32 s30, s16  }
0x57: {  	p1 =	por p0, p1  }
0x58: {  	v4 =	vpsel p1, $0xFFFFFFFF, v4  }
0x59: {  	[tilespmem:s18+$0x0] =	vst.msk $0x1, v4  }
0x5a: {  	v4 =	vld [tilespmem:$0x30]  }
0x5b: {  	v5 =	vld [tilespmem:$0xA100]  }
0x5c: {  	v6 =	vld [tilespmem:$0x40];
	_ =	sdelay $0x3  }
0x5d: {  	vm4 =	vmmov vm1;
	v5 =	vadd.f32 v5, v4  }
0x5e: {  	vm5 =	vmmov vm2;
	s31 =	simm.s32 $0xA100;
	vm4 =	vmmov @p0 vm2;
	v4 =	vadd.f32 v6, v4  }
0x5f: {  	vm5 =	vmmov @p1 vm1;
	[tilespmem:s31+$0x0] =	vst.msk vm4, v5  }
0x60: {  	[tilespmem:s19+$0x0] =	vst.msk vm5, v4  }
0x61: {  	v4 =	vld [tilespmem:$0x80F0];
	_ =	sdelay $0x3  }
0x62: {  	v5 =	vimm.f32 $0.0e+00  }
0x63: {  	v4 =	vshift.insert v4, v5, s20;
	_ =	sdelay $0x1  }
0x64: {  	[tilespmem:s21+$0x0] =	vst.msk $0x1, v4  }
0x65: {  	[tilespmem:s22+$0x0] =	vst.msk $0x1, v5  }
0x66: {  	v4 =	vld [tilespmem:$0x20F0];
	_ =	sdelay $0x4  }
0x67: {  	v4 =	vshift.insert v4, v1, s20;
	_ =	sdelay $0x1  }
0x68: {  	[tilespmem:s23+$0x0] =	vst.msk $0x1, v4  }
0x69: {  	s17 =	simm.s32 $0x100;
	v6 =	vld [tilespmem:s31+$0x0]  }
0x6a: {  	v7 =	vld [tilespmem:s17+$0x0];
	_ =	sdelay $0x3  }
0x6b: {  	v5 =	vadd.f32 v6, v5  }
0x6c: {  	vm4 =	vne.s32 v7, $0xFFFFFFFF  }
0x6d: {  	(xrf2) =	vadd.seg.scan.f32 vm4, v5;
	_ =	sdelay $0x3  }
0x6e: {  	s0 =	simm.s32 $0x6100;
	v5 =	vperm.xlane v4, v1  }
0x6f: {  	v6 =	vld [tilespmem:s0+$0x0]  }
0x70: {  	vm5 =	veq.s32 v7, v3;
	vm6 =	veq.s32 v7, v5  }
0x71: {  	vm7 =	vgt.u32 v7, $0xFFFFFFFD;
	vm6 =	vmor vm6, vm5  }
0x72: {  	vm6 =	vmor vm6, vm7  }
0x73: {  	v9 =	vld [tilespmem:$0xA0];
	v7 =	vsel vm6, $0xFFFFFFFF, v7  }
0x74: {  	v10 =	vld [tilespmem:$0x90];
	v6 =	vsel vm5, $0x0, v6;
	v8, _, _ =	vpop (xrf2)  }
0x75: {  	v6 =	vadd.f32 v8, v6  }
0x76: {  	s2 =	simm.s32 $0xE100  }
0x77: {  	vm4 =	vmand vm4, vm3;
	[tilespmem:s2+$0x0] =	vst v6;
	(ifvalue) =	ssetifvalue $0xFFFFFFFF  }
0x78: {  	vm6 =	veq.s32 v9, $0x1;
	[hbm4b:s1+s14] =	stream.indirect_vreg.scatter [tilespmem:s2], [sflag:$0x2], $0x1, v7, vm0, $0x4038;
	v7 =	vsel vm4, $0x0, v8;
	[tilespmem:$0x12120] =	vst v63  }
0x79: {  	s16 =	simm.s32 $0x0;
	s17 =	simm.s32 $0x110;
	vm4 =	vmor vm6, vm5;
	v6 =	vsel vm5, v8, v10;
	v7 =	vshift.insert v7, v0, s20  }
.LBB2_9:
0x7a: {  	v8 =	vld [tilespmem:s17+$0x0];
	s31 =	sadd.s32 $0x10, s31  }
0x7b: {  	s0 =	sadd.s32 $0x10, s0;
	v9 =	vld [tilespmem:s31+$0x0]  }
0x7c: {  	s16 =	sadd.s32 $0x10, s16;
	v10 =	vld [tilespmem:s0+$0x0]  }
0x7d: {  	p0 =	slt.u32 s16, $0x1FF0;
	_ =	sdelay $0x2  }
0x7e: {  	v7 =	vadd.f32 v9, v7  }
0x7f: {  	vm5 =	vne.s32 v8, $0xFFFFFFFF  }
0x80: {  	vm6 =	vmand vm5, vm3;
	(xrf2) =	vadd.seg.scan.f32 vm5, v7;
	_ =	sdelay $0x5  }
0x81: {  	vm7 =	veq.s32 v8, v5;
	vm5 =	veq.s32 v8, v3  }
0x82: {  	vm8 =	vgt.u32 v8, $0xFFFFFFFD;
	vm4 =	vmor vm4, vm5;
	vm7 =	vmor vm7, vm5  }
0x83: {  	vm7 =	vmor vm7, vm8  }
0x84: {  	v8 =	vsel vm7, $0xFFFFFFFF, v8  }
.Ltmp7:
0x85: {  	v7 =	vsel vm5, $0x0, v10;
	v9, _, _ =	vpop (xrf2);
	(pc) =	sbr.rel @p0 .LBB2_9-.Ltmp7, $4  }
0x86: {  	v6 =	vsel vm5, v9, v6;
	v10 =	vadd.f32 v9, v7;
	v7 =	vsel vm6, $0x0, v9  }
0x87: {  	s2 =	sadd.s32 $0x10, s2;
	v7 =	vshift.insert v7, v0, s20  }
0x88: {  	s17 =	sadd.s32 $0x10, s17;
	[tilespmem:s2+$0x0] =	vst v10;
	(ifvalue) =	ssetifvalue $0xFFFFFFFF  }
0x89: {  	[hbm4b:s1+s14] =	stream.indirect_vreg.scatter [tilespmem:s2], [sflag:$0x2], $0x1, v8, vm0, $0x4038;
	[tilespmem:$0x12120] =	vst v63  }
0x8a: {  	v3 =	vld [tilespmem:$0x100F0];
	_ =	sdelay $0x4  }
0x8b: {  	v3 =	vshift.insert v3, v0, s20;
	_ =	sdelay $0x1  }
0x8c: {  	[tilespmem:s24+$0x0] =	vst.msk $0x1, v3  }
0x8d: {  	v3 =	vsel vm4, $0x1, v1;
	[tilespmem:$0x90] =	vst v6  }
0x8e: {  	[tilespmem:$0xA0] =	vst v3  }
0x8f: {  	[spmem:s12] =	stream.linear.scatter [tilespmem:s25], [sflag:$0x1], $0x1, $0x38;
	[tilespmem:$0x12120] =	vst v63  }
0x90: {  	v3 =	vmctz.xlane vm4;
	_ =	swait.ge [sflag:s3], $0x1  }
0x91: {  	(v2sf) =	vpush v4, $0x0  }
0x92: {  	(v2sf) =	vpush v3, $0x0;
	_ =	sdelay $0xd  }
0x93: {  	s0 =	spop (v2sf)  }
0x94: {  	s2 =	spop (v2sf)  }
0x95: {  	[sflag:s3] =	ssyncset.done $0x0;
	p0 =	sne.s32 s30, s0;
	p1 =	slt.s32 s2, $0xF  }
0x96: {  	[sflag:s3] =	ssyncadd.s32 $0xFFFFFFFF;
	v3 =	vimm.s32 @!p0 $0xFFFFFFFF;
	s2 =	simm.s32 @!p1 $0xF  }
0x97: {  	[tilespmem:$0x80] =	vst @!p0 v3;
	s31 =	sadd.s32 $0x90, s2  }
0x98: {  	[spmem:s10] =	stream.linear.scatter [tilespmem:s31], [sflag:$0x1], $0x1, $0x38;
	[tilespmem:$0x12120] =	vst v63  }
0x99: {  	_ =	swait.ge [sflag:s3], $0x1  }
0x9a: {  	[sflag:s3] =	ssyncset.done $0x0  }
0x9b: {  	[sflag:s3] =	ssyncadd.s32 $0xFFFFFFFF  }
0x9c: {  	[spmem:s13] =	stream.linear.scatter [tilespmem:s26], [sflag:$0x1], $0x1, $0x38;
	[tilespmem:$0x12120] =	vst v63  }
0x9d: {  	_ =	swait.ge [sflag:s3], $0x1  }
0x9e: {  	[sflag:s3] =	ssyncset.done $0x0  }
0x9f: {  	[sflag:s3] =	ssyncadd.s32 $0xFFFFFFFF;
	(ifvalue) =	ssetifvalue $0xFFFFFFFF;
	v3 =	vld [tilespmem:$0x10];
	_ =	sdelay $0x3  }
.Ltmp8:
0xa0: {  	_ = 	snop;
	(pc) =	sbr.rel .LBB2_4-.Ltmp8, $3  }
0xa1: {  	_ =	sdelay $0x1  }
0xa2: {  	(ifvalue) =	ssetifvalue $0xFFFFFFFF  }
0xa3: {  	[hbm4b:s1+s14] =	stream.indirect_vreg.scatter [tilespmem:s19], [sflag:$0x9], $0x1, v3, vm0, $0x4038;
	[tilespmem:$0x12120] =	vst v63  }
.LBB2_12:
0xa4: {  	s0 =	simm.s32 $0x2  }
0xa5: {  	_ =	swait.ge [sflag:s0], $0x2000  }
0xa6: {  	[sflag:s0] =	ssyncset.done $0x0  }
0xa7: {  	s31 =	simm.s32 $0x9;
	[sflag:s0] =	ssyncadd.s32 $0xFFFFE000  }
0xa8: {  	_ =	swait.ge [sflag:s31], $0x10  }
0xa9: {  	[sflag:s31] =	ssyncset.done $0x0  }
0xaa: {  	[sflag:s31] =	ssyncadd.s32 $0xFFFFFFF0  }
.LBB2_13:
0xab: {  	_ =	sfence.sel $0x180000  }
0xac: {  	s0 =	simm.s32 $0x7;
	[bflag:$0x0] =	sbarrier.arrive $0xFFFF  }
0xad: {  	s26 =	simm.s32 $0x8;
	[sflag:s0] =	ssyncpa.u1 $0x1  }
0xae: {  	s28 =	simm.s32 $0x9;
	[sflag:s26] =	ssyncpa.u1 $0x1  }
0xaf: {  	[sflag:s28] =	ssyncpa.u1 $0x1  }
0xb0: {  	_ =	sfence.stream.spmem  }
0xb1: {  	s29 =	simm.s32 $0x3;
	[bflag:$0x0] =	sbarrier.arrive $0xFFFF  }
0xb2: {  	s30 =	simm.s32 $0x4;
	[sflag:s29] =	ssyncpa.u1 $0x1  }
0xb3: {  	s31 =	simm.s32 $0x3C;
	s2 =	stileid.u32;
	[sflag:s30] =	ssyncpa.u1 $0x1  }
0xb4: {  	p0 =	sne.s32 s2, $0x0;
	[sflag:s31] =	ssyncpa.u1 $0x1  }
0xb5: {  	s0 =	simm.s32 @p0 $0x1;
	_ =	sfence @p0  }
0xb6: {  	[sflag:s0] =	ssyncpa.u1 @p0 $0x1;
	s0 =	simm.s32 @p0 $0x2  }
0xb7: {  	[sflag:s0] =	ssyncpa.u1 @p0 $0x1  }
0xb8: {  	_ =	strace @p0 $0x9000004A  }
0xb9: {  	[bflag:$0x2] =	sbarrier.arrive @p0 $0xFFFF  }
0xba: {  	_ =	shalt @p0  }
.LBB2_14:
0xbb: {  	_ =	sfence.stream.spmem;
	s0 =	simm.s32 $0x5  }
0xbc: {  	s2 =	simm.s32 $0x80;
	s3 =	simm.s32 $0xC0;
	[sflag:s0] =	ssyncpa.u1 $0x0  }
0xbd: {  	[tilespmem:s3], [sflag:$0x5] =	stream.linear.gather [spmem:s2], $0x20, $0x38;
	[tilespmem:$0x12120] =	vst v63  }
0xbe: {  	s2 =	simm.s32 $0x0;
	s3 =	simm.s32 $0xE0  }
0xbf: {  	[tilespmem:s3], [sflag:$0x5] =	stream.linear.gather [spmem:s2], $0x20, $0x38;
	[tilespmem:$0x12120] =	vst v63  }
.Ltmp9:
0xc0: {  	_ = 	snop;
	(pc) =	sbr.rel .LBB2_15-.Ltmp9, $4  }
0xc1: {  	_ =	swait.ge [sflag:s0], $0x40  }
0xc2: {  	[sflag:s0] =	ssyncset.done $0x0  }
0xc3: {  	s31 =	simm.s32 $0x6;
	[sflag:s0] =	ssyncadd.s32 $0xFFFFFFC0  }
0xc4: {  	s4 =	simm.s32 $0x0;
	[sflag:s31] =	ssyncpa.u1 $0x0  }
.LBB2_20:
0xc5: {  	p0 =	sgt.u32 s0, $0xFFF  }
0xc6: {  	s5 =	sshrl.u32 @!p0 s0, $0x3  }
0xc7: {  	s0 =	sand.u32 @!p0 $0x7, s0;
	s6 =	simm.s32 @!p0 $0xB0;
	s5 =	sadd.s32 @!p0 s1, s5  }
0xc8: {  	[tilespmem:s6], [sflag:$0x6] =	stream.linear.gather @!p0 [hbm4b:s5+s0], $0x1, $0x38;
	[tilespmem:$0x12120] =	vst v63  }
0xc9: {  	s0 =	simm.s32 @!p0 $0x6  }
0xca: {  	_ =	swait.ge @!p0 [sflag:s0], $0x1  }
0xcb: {  	[sflag:s0] =	ssyncset.done @!p0 $0x0  }
0xcc: {  	[sflag:s0] =	ssyncadd.s32 @!p0 $0xFFFFFFFF  }
0xcd: {  	v2 =	vmov @!p0 s4;
	v1 =	vld.msk @!p0 [tilespmem:$0xB0], $0x1;
	_ =	sdelay $0x3  }
0xce: {  	s0 =	simm.s32 @!p0 $0xE0  }
0xcf: {  	[tilespmem:v2+s0+$0x0], v1 =	vst.idx.ret.add.f32.msk @!p0 $0x1, v1  }
0xd0: {  	[tilespmem:s2+$0xC0] =	vst.msk $0x1, v0  }
0xd1: {  	v0 =	vld.msk [tilespmem:s4+$0xE0], $0x1;
	_ =	sdelay $0x4  }
0xd2: {  	[tilespmem:s2+$0xE0] =	vst.msk $0x1, v0;
	s2 =	sadd.s32 $0x1, s2  }
.LBB2_22:
0xd3: {  	s4 =	sadd.s32 $0x1, s4  }
0xd4: {  	p0 =	sne.s32 s4, $0x20  }
.Ltmp10:
0xd5: {  	_ = 	snop;
	(pc) =	sbr.rel @!p0 .LBB2_23-.Ltmp10, $1  }
0xd6: {  	_ =	sdelay $0x3  }
.LBB2_15:
0xd7: {  	v0 =	vld.msk [tilespmem:s4+$0xC0], $0x1;
	_ =	sdelay $0x4  }
0xd8: {  	(v2sf) =	vpush v0, $0x0;
	_ =	sdelay $0xe  }
0xd9: {  	s0 =	spop (v2sf)  }
0xda: {  	p0 =	seq.s32 s0, $0xFFFFFFFF  }
.Ltmp11:
0xdb: {  	_ = 	snop;
	(pc) =	sbr.rel @p0 .LBB2_22-.Ltmp11, $1  }
0xdc: {  	_ =	sdelay $0x3  }
0xdd: {  	p0 =	slt.s32 s2, $0x1  }
.Ltmp12:
0xde: {  	_ = 	snop;
	(pc) =	sbr.rel @p0 .LBB2_20-.Ltmp12, $1  }
0xdf: {  	_ =	sdelay $0x3  }
0xe0: {  	s5 =	simm.s32 $0xC0;
	p0 =	por $0x0, $0x0  }
0xe1: {  	v1 =	vld.msk @!p0 [tilespmem:s5+$0x0], $0x1;
	_ =	sdelay $0x4  }
0xe2: {  	(v2sf) =	vpush @!p0 v1, $0x0;
	_ =	sdelay $0xd  }
0xe3: {  	p2 =	sne.s32 s2, $0x1  }
.Ltmp13:
0xe4: {  	s6 =	spop @!p0 (v2sf);
	(pc) =	sbr.rel @!p2 .LBB2_19-.Ltmp13, $4  }
0xe5: {  	p1 =	seq.s32 @!p0 s0, s6  }
0xe6: {  	s6 =	simm.s32 $0x0;
	p1 =	por !p1, p0  }
0xe7: {  	s8 =	simm.s32 $0xFFFFFFFF;
	s6 =	simm.s32 @p1 $0xFFFFFFFF  }
0xe8: {  	s7 =	simm.s32 $0x1;
	s6 =	smov.u32 @p0 s8  }
.LBB2_18:
0xe9: {  	s8 =	smov.u32 s6;
	p0 =	sne.s32 s6, $0xFFFFFFFF  }
0xea: {  	s5 =	sadd.s32 $0x1, s5;
	s6 =	smov.u32 s7;
	s7 =	sadd.s32 $0x1, s7  }
0xeb: {  	p1 =	sne.s32 s2, s7;
	v1 =	vld.msk @!p0 [tilespmem:s5+$0x0], $0x1;
	_ =	sdelay $0x4  }
0xec: {  	(v2sf) =	vpush @!p0 v1, $0x0;
	_ =	sdelay $0xe  }
.Ltmp14:
0xed: {  	s9 =	spop @!p0 (v2sf);
	(pc) =	sbr.rel @p1 .LBB2_18-.Ltmp14, $4  }
0xee: {  	p2 =	seq.s32 @!p0 s0, s9  }
0xef: {  	p2 =	por !p2, p0  }
0xf0: {  	s6 =	simm.s32 @p2 $0xFFFFFFFF  }
0xf1: {  	s6 =	smov.u32 @p0 s8  }
.LBB2_19:
0xf2: {  	p0 =	sne.s32 s6, $0xFFFFFFFF  }
.Ltmp15:
0xf3: {  	_ = 	snop;
	(pc) =	sbr.rel @!p0 .LBB2_20-.Ltmp15, $1  }
0xf4: {  	_ =	sdelay $0x3  }
0xf5: {  	v0 =	vld.msk [tilespmem:s4+$0xE0], $0x1;
	v1 =	vmov s6  }
.Ltmp16:
0xf6: {  	_ = 	snop;
	(pc) =	sbr.rel .LBB2_22-.Ltmp16, $2  }
0xf7: {  	_ =	sdelay $0x2  }
0xf8: {  	[tilespmem:v1+s3+$0x0], v0 =	vst.idx.ret.add.f32.msk $0x1, v0  }
.LBB2_23:
0xf9: {  	p0 =	slt.s32 s2, $0x1  }
.Ltmp17:
0xfa: {  	_ = 	snop;
	(pc) =	sbr.rel @p0 .LBB2_27-.Ltmp17, $3  }
0xfb: {  	_ =	sdelay $0x1  }
0xfc: {  	s0 =	simm.s32 $0x6  }
0xfd: {  	[sflag:s0] =	ssyncpa.u1 $0x1;
	s0 =	simm.s32 $0x0  }
0xfe: {  	s3 =	simm.s32 $0xC0  }
0xff: {  	v0 =	vld.msk [tilespmem:s3+$0x0], $0x1;
	_ =	sdelay $0x4  }
0x100: {  	(v2sf) =	vpush v0, $0x0;
	_ =	sdelay $0xe  }
0x101: {  	s2 =	sadd.s32 $0xFFFFFFFF, s2;
	s4 =	spop (v2sf)  }
0x102: {  	p1 =	sne.s32 s2, $0x0;
	p0 =	sgt.u32 s4, $0xFFF  }
.Ltmp18:
0x103: {  	s5 =	sshrl.u32 @!p0 s4, $0x3;
	(pc) =	sbr.rel @!p1 .LBB2_26-.Ltmp18, $4  }
0x104: {  	s3 =	simm.s32 $0xE0;
	s4 =	sand.u32 @!p0 $0x7, s4;
	s5 =	sadd.s32 @!p0 s1, s5  }
0x105: {  	[hbm4b:s5+s4] =	stream.linear.scatter @!p0 [tilespmem:s3], [sflag:$0x5], $0x1, $0x38;
	[tilespmem:$0x12120] =	vst v63  }
0x106: {  	s5 =	simm.s32 $0x0  }
0x107: {  	s4 =	simm.s32 $0xC1;
	s5 =	simm.s32 @!p0 $0x4  }
.LBB2_25:
0x108: {  	v0 =	vld.msk [tilespmem:s4+$0x0], $0x1;
	s2 =	sadd.s32 $0xFFFFFFFF, s2;
	s0 =	sadd.s32 s0, s5  }
0x109: {  	p0 =	sne.s32 s2, $0x0;
	_ =	sdelay $0x3  }
0x10a: {  	(v2sf) =	vpush v0, $0x0;
	_ =	sdelay $0xe  }
.Ltmp19:
0x10b: {  	s6 =	spop (v2sf);
	(pc) =	sbr.rel @p0 .LBB2_25-.Ltmp19, $4  }
0x10c: {  	s5 =	simm.s32 $0x0;
	p1 =	sgt.u32 s6, $0xFFF  }
0x10d: {  	s3 =	sadd.s32 $0x1, s3;
	s5 =	simm.s32 @!p1 $0x4;
	s7 =	sshrl.u32 @!p1 s6, $0x3  }
0x10e: {  	s4 =	sadd.s32 $0x1, s4;
	s6 =	sand.u32 @!p1 $0x7, s6;
	s7 =	sadd.s32 @!p1 s1, s7  }
0x10f: {  	[hbm4b:s7+s6] =	stream.linear.scatter @!p1 [tilespmem:s3], [sflag:$0x5], $0x1, $0x38;
	[tilespmem:$0x12120] =	vst v63  }
.LBB2_26:
0x110: {  	s0 =	sadd.s32 s0, s5  }
0x111: {  	s0 =	sshrl.u32 s0, $0x2  }
.LBB2_27:
0x112: {  	s1 =	simm.s32 $0x5  }
0x113: {  	_ =	swait.ge [sflag:s1], s0  }
0x114: {  	s28 =	ssub.s32 $0x0, s0;
	[sflag:s1] =	ssyncset.done $0x0  }
0x115: {  	[sflag:s1] =	ssyncadd.s32 s28  }
0x116: {  	[sflag:s1] =	ssyncpa.u1 $0x1  }
0x117: {  	s29 =	simm.s32 $0x1;
	_ =	sfence  }
0x118: {  	s30 =	simm.s32 $0x2;
	[sflag:s29] =	ssyncpa.u1 $0x1  }
0x119: {  	[sflag:s30] =	ssyncpa.u1 $0x1  }
0x11a: {  	_ =	strace $0x9000004A  }
0x11b: {  	[bflag:$0x2] =	sbarrier.arrive $0xFFFF  }
0x11c: {  	s31 =	rddreg [dreg:$0x1]  }
0x11d: {  	s0 =	sadd.s32 $0x100000, s31  }
0x11e: {  	[sflag:s0] =	ssyncadd.tile.s32 $0x1;
	_ =	shalt  }
.Lfunc_end2:
_tile_overlayer_lowered:
.L_overlay_start_2:
0x11f: {  	(tag) =	ssettag $0x2  }
0x120: {  	s0 =	rddreg [dreg:$0x0];
	s2 =	stileid.u32  }
0x121: {  	s1 =	rddreg [dreg:$0x1];
	p0 =	sne.s32 s2, $0x0  }
0x122: {  	s3 =	rddreg [dreg:$0x2];
	[bflag:$0x3] =	sbarrier.arrive $0xFFFF;
	s2 =	simm.s32 @!p0 $0x1C01  }
0x123: {  	[timem:s3], [sflag:s2] =	dma.local @!p0 [hbm:s0], s1  }
0x124: {  	s0 =	simm.s32 @!p0 $0x1  }
0x125: {  	_ =	swait.ge @!p0 [sflag:s0], s1  }
0x126: {  	s1 =	ssub.s32 @!p0 $0x0, s1;
	[sflag:s0] =	ssyncset.done @!p0 $0x0  }
0x127: {  	[sflag:s0] =	ssyncadd.s32 @!p0 s1  }
0x128: {  	[bflag:$0x3] =	sbarrier.arrive $0xFFFF  }
0x129: {  	_ =	shalt  }

</sc_bundles>
